<compile_context>
chip_gen: v7x
topology: tpu7x:2x2x1
jax: 0.10.2.dev20260603
libtpu: 0.0.44.dev20260713+nightly
codegen_flags: <defaults>
</compile_context>

<pallas_src>
import functools

import jax
import jax.numpy as jnp
from jax import lax
from jax.experimental import pallas as pl
from jax.experimental.pallas import tpu as pltpu
from jax.experimental.pallas import tpu_sc as plsc

VOCAB = 1000000
D_MODEL = 64
SCALE = 8.0
SEQ = 16384
POS = 50
NTOK = SEQ * POS

NUM_CORES = 2
NUM_SUBCORES = 16
NW = NUM_CORES * NUM_SUBCORES

B_W = SEQ // NW
SUB = 128
NSUB = B_W // SUB
NCHUNK = POS * NSUB

TBLK = 8192
TGRID = (VOCAB + TBLK - 1) // TBLK

OBLK = 4096
OGRID = SEQ // OBLK


def _tin_body(t_ref, o_ref):
    blk = t_ref[...]
    blk_t = jnp.transpose(blk, (1, 0))
    o_ref[...] = jnp.concatenate(
        [blk_t, jnp.zeros((TBLK, 128 - D_MODEL), jnp.float32)], axis=1)


def _tc_transpose_in(tt):
    return pl.pallas_call(
        _tin_body,
        grid=(TGRID,),
        in_specs=[pl.BlockSpec((D_MODEL, TBLK), lambda i: (0, i))],
        out_specs=pl.BlockSpec((TBLK, 128), lambda i: (i, 0)),
        out_shape=jax.ShapeDtypeStruct((TGRID * TBLK, 128), jnp.float32),
    )(tt)


def _tout_body(r_ref, o_ref):
    blk = r_ref[:, :D_MODEL]
    o_ref[0] = jnp.transpose(blk, (1, 0)) * SCALE


def _tc_transpose_out(rows, pos):
    return pl.pallas_call(
        _tout_body,
        grid=(pos, OGRID),
        in_specs=[pl.BlockSpec((OBLK, 128),
                               lambda s, j: (s * OGRID + j, 0))],
        out_specs=pl.BlockSpec((1, D_MODEL, OBLK), lambda s, j: (s, 0, j)),
        out_shape=jax.ShapeDtypeStruct((pos, D_MODEL, SEQ), jnp.float32),
    )(rows)


_mesh = plsc.VectorSubcoreMesh(core_axis_name="c", subcore_axis_name="s")


@functools.partial(
    pl.kernel,
    mesh=_mesh,
    out_type=jax.ShapeDtypeStruct((NTOK, 128), jnp.float32),
    compiler_params=pltpu.CompilerParams(
        use_tc_tiling_on_sc=True, needs_layout_passes=False),
    scratch_types=[
        pltpu.VMEM((POS * B_W,), jnp.int32),
        pltpu.VMEM((4, SUB, 128), jnp.float32),
        pltpu.SemaphoreType.DMA,
        pltpu.SemaphoreType.DMA,
        pltpu.SemaphoreType.DMA,
        pltpu.SemaphoreType.DMA,
        pltpu.SemaphoreType.DMA,
        pltpu.SemaphoreType.DMA,
        pltpu.SemaphoreType.DMA,
        pltpu.SemaphoreType.DMA,
    ],
)
def _sc_gather(xs_hbm, trm_hbm, out_hbm, idx_v, gbuf,
               gsem0, gsem1, gsem2, gsem3, ssem0, ssem1, ssem2, ssem3):
    gsems = (gsem0, gsem1, gsem2, gsem3)
    ssems = (ssem0, ssem1, ssem2, ssem3)
    wid = lax.axis_index("s") * NUM_CORES + lax.axis_index("c")
    b0w = wid * B_W

    def stage(s, c):
        pltpu.sync_copy(xs_hbm.at[pl.ds(s * SEQ + b0w, B_W)],
                        idx_v.at[pl.ds(s * B_W, B_W)])
        return c
    lax.fori_loop(0, POS, stage, 0)

    def out_row(chunk):
        s = chunk // NSUB
        sub = chunk - s * NSUB
        return s * SEQ + b0w + sub * SUB

    def fire_gather(chunk, slot):
        pltpu.async_copy(
            trm_hbm.at[idx_v.at[pl.ds(chunk * SUB, SUB)]],
            gbuf.at[slot],
            gsems[slot],
        )

    def wait_gather(slot):
        pltpu.make_async_copy(
            trm_hbm.at[idx_v.at[pl.ds(0, SUB)]],
            gbuf.at[slot],
            gsems[slot],
        ).wait()

    def fire_scatter(chunk, slot):
        pltpu.async_copy(gbuf.at[slot],
                         out_hbm.at[pl.ds(out_row(chunk), SUB)],
                         ssems[slot])

    def wait_scatter(chunk, slot):
        pltpu.make_async_copy(gbuf.at[slot],
                              out_hbm.at[pl.ds(out_row(chunk), SUB)],
                              ssems[slot]).wait()

    fire_gather(jnp.int32(0), 0)
    fire_gather(jnp.int32(1), 1)

    def body(t, carry):
        for p in range(4):
            slot = p
            c = t * 4 + p
            wait_gather(slot)
            fire_scatter(c, slot)

            nslot = (p + 2) % 4

            @pl.when(c >= 2)
            def _():
                wait_scatter(c - 2, nslot)

            @pl.when(c + 2 < NCHUNK)
            def _():
                fire_gather(c + 2, nslot)
        return carry

    lax.fori_loop(0, NCHUNK // 4, body, 0)

    wait_scatter(NCHUNK - 2, 2)
    wait_scatter(NCHUNK - 1, 3)


def kernel(x, table):
    tt = table.T
    t_rm = _tc_transpose_in(tt)
    xs = x.T.reshape(-1).astype(jnp.int32)
    rows = _sc_gather(xs, t_rm)
    out3 = _tc_transpose_out(rows, POS)
    return jnp.transpose(out3, (2, 0, 1))

# --- scband reference (transcript-rebuilt; emitter-appended) ---
"""Pipeline reference for scband-input-embeddings-31533649887514 (READ-ONLY COPY).

The authoritative reference and input builder live on the scoring server;
editing this copy changes nothing except your own understanding.
"""

import jax, jax.numpy as jnp
import numpy as np
import math

VOCAB = 1000000
D_MODEL = 64

def setup_inputs(seed: int = 0) -> dict:
    key = jax.random.key(seed)
    k1, k2 = jax.random.split(key)
    x = jax.random.randint(k1, (16384, 50), 0, VOCAB, dtype=jnp.int64 if jax.config.jax_enable_x64 else jnp.int32)
    table = jax.random.normal(k2, (VOCAB, D_MODEL), dtype=jnp.float32)
    return {"x": x, "table": table}

def reference(x, table):
    # InputEmbeddings.forward: embedding(x) * sqrt(d_model)
    emb = jnp.take(table, x, axis=0)
    return emb * math.sqrt(D_MODEL)

if __name__ == "__main__":
    import jax
    _d = setup_inputs()
    print(jax.jit(kernel)(*tuple(_d.values())))

</pallas_src>

<mosaic_0001>
#map = affine_map<(d0, d1) -> (0)>
#map1 = affine_map<(d0, d1) -> (0, 0)>
module attributes {stable_mosaic.version = 14 : i64} {
  func.func @_sc_gather(%arg0: i32, %arg1: i32, %arg2: memref<819200xi32, #tpu.memory_space<hbm>>, %arg3: memref<1007616x128xf32, #tpu.memory_space<hbm>>, %arg4: memref<819200x128xf32, #tpu.memory_space<hbm>>, %arg5: memref<25600xi32, #tpu.memory_space<vmem>>, %arg6: memref<4x128x128xf32, #tpu.memory_space<vmem>>, %arg7: memref<!tpu.dma_semaphore, #tpu.memory_space<semaphore_mem>>, %arg8: memref<!tpu.dma_semaphore, #tpu.memory_space<semaphore_mem>>, %arg9: memref<!tpu.dma_semaphore, #tpu.memory_space<semaphore_mem>>, %arg10: memref<!tpu.dma_semaphore, #tpu.memory_space<semaphore_mem>>, %arg11: memref<!tpu.dma_semaphore, #tpu.memory_space<semaphore_mem>>, %arg12: memref<!tpu.dma_semaphore, #tpu.memory_space<semaphore_mem>>, %arg13: memref<!tpu.dma_semaphore, #tpu.memory_space<semaphore_mem>>, %arg14: memref<!tpu.dma_semaphore, #tpu.memory_space<semaphore_mem>>) attributes {dimension_semantics = [#tpu.dimension_semantics<core_parallel>, #tpu.dimension_semantics<subcore_parallel>], iteration_bounds = array<i64: 2, 16>, scalar_prefetch = 0 : i64, scratch_operands = 10 : i64, tpu.core_type = #tpu.core_type<sc_vector_subcore>, window_params = [{transform_indices = #map}, {transform_indices = #map1}, {transform_indices = #map1}]} {
    %mul3A = arith.constant 2 : i32
    %mul3A_0 = arith.muli %arg1, %mul3A : i32
    %add3A = arith.addi %mul3A_0, %arg0 : i32
    %mul3A_1 = arith.constant 512 : i32
    %mul3A_2 = arith.muli %add3A, %mul3A_1 : i32
    %scan3A = arith.constant 0 : i32
    %scan3A_3 = arith.constant 0 : i32
    %scan3A_4 = arith.constant 50 : i32
    %scan3A_5 = arith.addi %scan3A_3, %scan3A_4 : i32
    %scan3A_6 = arith.constant 1 : i32
    scf.for %scan3A_70 = %scan3A_3 to %scan3A_5 step %scan3A_6  : i32 {
      %mul3A_71 = arith.constant 16384 : i32
      %mul3A_72 = arith.muli %scan3A_70, %mul3A_71 : i32
      %add3A_73 = arith.addi %mul3A_72, %mul3A_2 : i32
      %mul3A_74 = arith.constant 512 : i32
      %mul3A_75 = arith.muli %scan3A_70, %mul3A_74 : i32
      "tpu.region"() ({
        %run_scoped3A = tpu.sem_alloc : memref<!tpu.dma_semaphore, #tpu.memory_space<semaphore_mem>>
        %dma_start3A_76 = tpu.memref_slice %arg5[%mul3A_75] : memref<25600xi32, #tpu.memory_space<vmem>> -> memref<512xi32, #tpu.memory_space<vmem>>
        %dma_start3A_77 = tpu.memref_slice %arg2[%add3A_73] : memref<819200xi32, #tpu.memory_space<hbm>> -> memref<512xi32, #tpu.memory_space<hbm>>
        %dma_start3A_78 = tpu.memref_slice %arg5[%mul3A_75] : memref<25600xi32, #tpu.memory_space<vmem>> -> memref<512xi32, #tpu.memory_space<vmem>>
        %dma_start3A_79 = tpu.memref_slice %arg2[%add3A_73] : memref<819200xi32, #tpu.memory_space<hbm>> -> memref<512xi32, #tpu.memory_space<hbm>>
        tpu.enqueue_dma source(%dma_start3A_79 : memref<512xi32, #tpu.memory_space<hbm>>) target(%dma_start3A_78 : memref<512xi32, #tpu.memory_space<vmem>>) target_semaphore(%run_scoped3A : memref<!tpu.dma_semaphore, #tpu.memory_space<semaphore_mem>>)
        %dma_wait3A_80 = tpu.memref_slice %arg5[%mul3A_75] : memref<25600xi32, #tpu.memory_space<vmem>> -> memref<512xi32, #tpu.memory_space<vmem>>
        %dma_wait3A_81 = tpu.memref_slice %arg2[%add3A_73] : memref<819200xi32, #tpu.memory_space<hbm>> -> memref<512xi32, #tpu.memory_space<hbm>>
        %dma_wait3A_82 = tpu.memref_slice %arg5[%mul3A_75] : memref<25600xi32, #tpu.memory_space<vmem>> -> memref<512xi32, #tpu.memory_space<vmem>>
        %dma_wait3A_83 = tpu.memref_slice %arg2[%add3A_73] : memref<819200xi32, #tpu.memory_space<hbm>> -> memref<512xi32, #tpu.memory_space<hbm>>
        tpu.wait_dma2 semaphore(%run_scoped3A : memref<!tpu.dma_semaphore, #tpu.memory_space<semaphore_mem>>) src(%dma_wait3A_83 : memref<512xi32, #tpu.memory_space<hbm>>) dst(%dma_wait3A_82 : memref<512xi32, #tpu.memory_space<vmem>>)
        tpu.yield
      }) : () -> ()
    }
    %scan3A_7 = arith.constant 50 : i32
    %mul3A_8 = arith.constant 0 : i32
    %mul3A_9 = arith.constant 128 : i32
    %mul3A_10 = arith.muli %mul3A_8, %mul3A_9 : i32
    %dma_start3A = arith.constant 0 : i32
    %dma_start3A_11 = arith.constant 0 : i32
    %dma_start3A_12 = arith.constant 0 : i32
    %dma_start3A_13 = tpu.memref_slice %arg6[%dma_start3A, %dma_start3A_11, %dma_start3A_12] : memref<4x128x128xf32, #tpu.memory_space<vmem>> -> memref<1x128x128xf32, #tpu.memory_space<vmem>>
    %dma_start3A_14 = tpu.memref_squeeze %dma_start3A_13 : memref<1x128x128xf32, #tpu.memory_space<vmem>> -> memref<128x128xf32, #tpu.memory_space<vmem>>
    %dma_start3A_15 = tpu.memref_slice %arg5[%mul3A_10] : memref<25600xi32, #tpu.memory_space<vmem>> -> memref<128xi32, #tpu.memory_space<vmem>>
    %dma_start3A_16 = arith.constant 0 : i32
    %dma_start3A_17 = arith.constant 0 : i32
    %dma_start3A_18 = tpu.memref_slice %arg3[%dma_start3A_16, %dma_start3A_17] : memref<1007616x128xf32, #tpu.memory_space<hbm>> -> memref<1007616x128xf32, #tpu.memory_space<hbm>>
    tpu.enqueue_indirect_dma source(%dma_start3A_18 : memref<1007616x128xf32, #tpu.memory_space<hbm>>) target(%dma_start3A_14 : memref<128x128xf32, #tpu.memory_space<vmem>>) offsets(%dma_start3A_15 : memref<128xi32, #tpu.memory_space<vmem>>) semaphore(%arg7 : memref<!tpu.dma_semaphore, #tpu.memory_space<semaphore_mem>>)
    %mul3A_19 = arith.constant 1 : i32
    %mul3A_20 = arith.constant 128 : i32
    %mul3A_21 = arith.muli %mul3A_19, %mul3A_20 : i32
    %dma_start3A_22 = arith.constant 1 : i32
    %dma_start3A_23 = arith.constant 0 : i32
    %dma_start3A_24 = arith.constant 0 : i32
    %dma_start3A_25 = tpu.memref_slice %arg6[%dma_start3A_22, %dma_start3A_23, %dma_start3A_24] : memref<4x128x128xf32, #tpu.memory_space<vmem>> -> memref<1x128x128xf32, #tpu.memory_space<vmem>>
    %dma_start3A_26 = tpu.memref_squeeze %dma_start3A_25 : memref<1x128x128xf32, #tpu.memory_space<vmem>> -> memref<128x128xf32, #tpu.memory_space<vmem>>
    %dma_start3A_27 = tpu.memref_slice %arg5[%mul3A_21] : memref<25600xi32, #tpu.memory_space<vmem>> -> memref<128xi32, #tpu.memory_space<vmem>>
    %dma_start3A_28 = arith.constant 0 : i32
    %dma_start3A_29 = arith.constant 0 : i32
    %dma_start3A_30 = tpu.memref_slice %arg3[%dma_start3A_28, %dma_start3A_29] : memref<1007616x128xf32, #tpu.memory_space<hbm>> -> memref<1007616x128xf32, #tpu.memory_space<hbm>>
    tpu.enqueue_indirect_dma source(%dma_start3A_30 : memref<1007616x128xf32, #tpu.memory_space<hbm>>) target(%dma_start3A_26 : memref<128x128xf32, #tpu.memory_space<vmem>>) offsets(%dma_start3A_27 : memref<128xi32, #tpu.memory_space<vmem>>) semaphore(%arg8 : memref<!tpu.dma_semaphore, #tpu.memory_space<semaphore_mem>>)
    %scan3A_31 = arith.constant 0 : i32
    %scan3A_32 = arith.constant 0 : i32
    %scan3A_33 = arith.constant 50 : i32
    %scan3A_34 = arith.addi %scan3A_32, %scan3A_33 : i32
    %scan3A_35 = arith.constant 1 : i32
    scf.for %scan3A_70 = %scan3A_32 to %scan3A_34 step %scan3A_35  : i32 {
      %mul3A_71 = arith.constant 4 : i32
      %mul3A_72 = arith.muli %scan3A_70, %mul3A_71 : i32
      %add3A_73 = arith.constant 0 : i32
      %add3A_74 = arith.addi %mul3A_72, %add3A_73 : i32
      %dma_wait3A_75 = arith.constant 0 : i32
      %dma_wait3A_76 = arith.constant 0 : i32
      %dma_wait3A_77 = arith.constant 0 : i32
      %dma_wait3A_78 = tpu.memref_slice %arg6[%dma_wait3A_75, %dma_wait3A_76, %dma_wait3A_77] : memref<4x128x128xf32, #tpu.memory_space<vmem>> -> memref<1x128x128xf32, #tpu.memory_space<vmem>>
      %dma_wait3A_79 = tpu.memref_squeeze %dma_wait3A_78 : memref<1x128x128xf32, #tpu.memory_space<vmem>> -> memref<128x128xf32, #tpu.memory_space<vmem>>
      %dma_wait3A_80 = arith.constant 0 : i32
      %dma_wait3A_81 = tpu.memref_slice %arg5[%dma_wait3A_80] : memref<25600xi32, #tpu.memory_space<vmem>> -> memref<128xi32, #tpu.memory_space<vmem>>
      %dma_wait3A_82 = arith.constant 0 : i32
      %dma_wait3A_83 = arith.constant 0 : i32
      %dma_wait3A_84 = tpu.memref_slice %arg3[%dma_wait3A_82, %dma_wait3A_83] : memref<1007616x128xf32, #tpu.memory_space<hbm>> -> memref<1007616x128xf32, #tpu.memory_space<hbm>>
      tpu.wait_indirect_dma semaphore(%arg7 : memref<!tpu.dma_semaphore, #tpu.memory_space<semaphore_mem>>) src(%dma_wait3A_84 : memref<1007616x128xf32, #tpu.memory_space<hbm>>) dst(%dma_wait3A_79 : memref<128x128xf32, #tpu.memory_space<vmem>>)
      %jit3A = arith.constant 4 : i32
      %div3A = arith.divsi %add3A_74, %jit3A : i32
      %sign3A = arith.constant 0 : i32
      %sign3A_85 = arith.cmpi sgt, %add3A_74, %sign3A : i32
      %sign3A_86 = arith.extui %sign3A_85 : i1 to i32
      %sign3A_87 = arith.constant 0 : i32
      %sign3A_88 = arith.cmpi slt, %add3A_74, %sign3A_87 : i32
      %sign3A_89 = arith.extui %sign3A_88 : i1 to i32
      %sign3A_90 = arith.subi %sign3A_86, %sign3A_89 : i32
      %sign3A_91 = arith.constant 0 : i32
      %sign3A_92 = arith.cmpi sgt, %jit3A, %sign3A_91 : i32
      %sign3A_93 = arith.extui %sign3A_92 : i1 to i32
      %sign3A_94 = arith.constant 0 : i32
      %sign3A_95 = arith.cmpi slt, %jit3A, %sign3A_94 : i32
      %sign3A_96 = arith.extui %sign3A_95 : i1 to i32
      %sign3A_97 = arith.subi %sign3A_93, %sign3A_96 : i32
      %ne3A = arith.cmpi ne, %sign3A_90, %sign3A_97 : i32
      %rem3A = arith.remsi %add3A_74, %jit3A : i32
      %ne3A_98 = arith.constant 0 : i32
      %ne3A_99 = arith.cmpi ne, %rem3A, %ne3A_98 : i32
      %and3A = arith.andi %ne3A, %ne3A_99 : i1
      %sub3A = arith.constant 1 : i32
      %sub3A_100 = arith.subi %div3A, %sub3A : i32
      %select_n3A = arith.select %and3A, %sub3A_100, %div3A : i32
      %mul3A_101 = arith.constant 4 : i32
      %mul3A_102 = arith.muli %select_n3A, %mul3A_101 : i32
      %sub3A_103 = arith.subi %add3A_74, %mul3A_102 : i32
      %mul3A_104 = arith.constant 16384 : i32
      %mul3A_105 = arith.muli %select_n3A, %mul3A_104 : i32
      %add3A_106 = arith.addi %mul3A_105, %mul3A_2 : i32
      %mul3A_107 = arith.constant 128 : i32
      %mul3A_108 = arith.muli %sub3A_103, %mul3A_107 : i32
      %add3A_109 = arith.addi %add3A_106, %mul3A_108 : i32
      %dma_start3A_110 = arith.constant 0 : i32
      %dma_start3A_111 = arith.constant 0 : i32
      %dma_start3A_112 = arith.constant 0 : i32
      %dma_start3A_113 = tpu.memref_slice %arg6[%dma_start3A_110, %dma_start3A_111, %dma_start3A_112] : memref<4x128x128xf32, #tpu.memory_space<vmem>> -> memref<1x128x128xf32, #tpu.memory_space<vmem>>
      %dma_start3A_114 = tpu.memref_squeeze %dma_start3A_113 : memref<1x128x128xf32, #tpu.memory_space<vmem>> -> memref<128x128xf32, #tpu.memory_space<vmem>>
      %dma_start3A_115 = arith.constant 0 : i32
      %dma_start3A_116 = tpu.memref_slice %arg4[%add3A_109, %dma_start3A_115] : memref<819200x128xf32, #tpu.memory_space<hbm>> -> memref<128x128xf32, #tpu.memory_space<hbm>>
      %dma_start3A_117 = arith.constant 0 : i32
      %dma_start3A_118 = tpu.memref_slice %arg4[%add3A_109, %dma_start3A_117] : memref<819200x128xf32, #tpu.memory_space<hbm>> -> memref<128x128xf32, #tpu.memory_space<hbm>>
      %dma_start3A_119 = arith.constant 0 : i32
      %dma_start3A_120 = arith.constant 0 : i32
      %dma_start3A_121 = tpu.memref_slice %arg6[%dma_start3A_110, %dma_start3A_119, %dma_start3A_120] : memref<4x128x128xf32, #tpu.memory_space<vmem>> -> memref<1x128x128xf32, #tpu.memory_space<vmem>>
      %dma_start3A_122 = tpu.memref_squeeze %dma_start3A_121 : memref<1x128x128xf32, #tpu.memory_space<vmem>> -> memref<128x128xf32, #tpu.memory_space<vmem>>
      tpu.enqueue_dma source(%dma_start3A_122 : memref<128x128xf32, #tpu.memory_space<vmem>>) target(%dma_start3A_118 : memref<128x128xf32, #tpu.memory_space<hbm>>) target_semaphore(%arg11 : memref<!tpu.dma_semaphore, #tpu.memory_space<semaphore_mem>>)
      %ge3A = arith.constant 2 : i32
      %ge3A_123 = arith.cmpi sge, %add3A_74, %ge3A : i32
      %convert_element_type3A = arith.extui %ge3A_123 : i1 to i32
      %cond3A = arith.constant 0 : i32
      %cond3A_124 = arith.cmpi ne, %convert_element_type3A, %cond3A : i32
      scf.if %cond3A_124 {
        %sub3A_347 = arith.constant 2 : i32
        %sub3A_348 = arith.subi %add3A_74, %sub3A_347 : i32
        %jit3A_349 = arith.constant 4 : i32
        %div3A_350 = arith.divsi %sub3A_348, %jit3A_349 : i32
        %sign3A_351 = arith.constant 0 : i32
        %sign3A_352 = arith.cmpi sgt, %sub3A_348, %sign3A_351 : i32
        %sign3A_353 = arith.extui %sign3A_352 : i1 to i32
        %sign3A_354 = arith.constant 0 : i32
        %sign3A_355 = arith.cmpi slt, %sub3A_348, %sign3A_354 : i32
        %sign3A_356 = arith.extui %sign3A_355 : i1 to i32
        %sign3A_357 = arith.subi %sign3A_353, %sign3A_356 : i32
        %sign3A_358 = arith.constant 0 : i32
        %sign3A_359 = arith.cmpi sgt, %jit3A_349, %sign3A_358 : i32
        %sign3A_360 = arith.extui %sign3A_359 : i1 to i32
        %sign3A_361 = arith.constant 0 : i32
        %sign3A_362 = arith.cmpi slt, %jit3A_349, %sign3A_361 : i32
        %sign3A_363 = arith.extui %sign3A_362 : i1 to i32
        %sign3A_364 = arith.subi %sign3A_360, %sign3A_363 : i32
        %ne3A_365 = arith.cmpi ne, %sign3A_357, %sign3A_364 : i32
        %rem3A_366 = arith.remsi %sub3A_348, %jit3A_349 : i32
        %ne3A_367 = arith.constant 0 : i32
        %ne3A_368 = arith.cmpi ne, %rem3A_366, %ne3A_367 : i32
        %and3A_369 = arith.andi %ne3A_365, %ne3A_368 : i1
        %sub3A_370 = arith.constant 1 : i32
        %sub3A_371 = arith.subi %div3A_350, %sub3A_370 : i32
        %select_n3A_372 = arith.select %and3A_369, %sub3A_371, %div3A_350 : i32
        %mul3A_373 = arith.constant 4 : i32
        %mul3A_374 = arith.muli %select_n3A_372, %mul3A_373 : i32
        %sub3A_375 = arith.subi %sub3A_348, %mul3A_374 : i32
        %mul3A_376 = arith.constant 16384 : i32
        %mul3A_377 = arith.muli %select_n3A_372, %mul3A_376 : i32
        %add3A_378 = arith.addi %mul3A_377, %mul3A_2 : i32
        %mul3A_379 = arith.constant 128 : i32
        %mul3A_380 = arith.muli %sub3A_375, %mul3A_379 : i32
        %add3A_381 = arith.addi %add3A_378, %mul3A_380 : i32
        %dma_wait3A_382 = arith.constant 2 : i32
        %dma_wait3A_383 = arith.constant 0 : i32
        %dma_wait3A_384 = arith.constant 0 : i32
        %dma_wait3A_385 = tpu.memref_slice %arg6[%dma_wait3A_382, %dma_wait3A_383, %dma_wait3A_384] : memref<4x128x128xf32, #tpu.memory_space<vmem>> -> memref<1x128x128xf32, #tpu.memory_space<vmem>>
        %dma_wait3A_386 = tpu.memref_squeeze %dma_wait3A_385 : memref<1x128x128xf32, #tpu.memory_space<vmem>> -> memref<128x128xf32, #tpu.memory_space<vmem>>
        %dma_wait3A_387 = arith.constant 0 : i32
        %dma_wait3A_388 = tpu.memref_slice %arg4[%add3A_381, %dma_wait3A_387] : memref<819200x128xf32, #tpu.memory_space<hbm>> -> memref<128x128xf32, #tpu.memory_space<hbm>>
        %dma_wait3A_389 = arith.constant 0 : i32
        %dma_wait3A_390 = tpu.memref_slice %arg4[%add3A_381, %dma_wait3A_389] : memref<819200x128xf32, #tpu.memory_space<hbm>> -> memref<128x128xf32, #tpu.memory_space<hbm>>
        %dma_wait3A_391 = arith.constant 0 : i32
        %dma_wait3A_392 = arith.constant 0 : i32
        %dma_wait3A_393 = tpu.memref_slice %arg6[%dma_wait3A_382, %dma_wait3A_391, %dma_wait3A_392] : memref<4x128x128xf32, #tpu.memory_space<vmem>> -> memref<1x128x128xf32, #tpu.memory_space<vmem>>
        %dma_wait3A_394 = tpu.memref_squeeze %dma_wait3A_393 : memref<1x128x128xf32, #tpu.memory_space<vmem>> -> memref<128x128xf32, #tpu.memory_space<vmem>>
        tpu.wait_dma2 semaphore(%arg13 : memref<!tpu.dma_semaphore, #tpu.memory_space<semaphore_mem>>) src(%dma_wait3A_394 : memref<128x128xf32, #tpu.memory_space<vmem>>) dst(%dma_wait3A_390 : memref<128x128xf32, #tpu.memory_space<hbm>>)
      } else {
      }
      %add3A_125 = arith.constant 2 : i32
      %add3A_126 = arith.addi %add3A_74, %add3A_125 : i32
      %lt3A = arith.constant 200 : i32
      %lt3A_127 = arith.cmpi slt, %add3A_126, %lt3A : i32
      %convert_element_type3A_128 = arith.extui %lt3A_127 : i1 to i32
      %cond3A_129 = arith.constant 0 : i32
      %cond3A_130 = arith.cmpi ne, %convert_element_type3A_128, %cond3A_129 : i32
      scf.if %cond3A_130 {
        %add3A_347 = arith.constant 2 : i32
        %add3A_348 = arith.addi %add3A_74, %add3A_347 : i32
        %mul3A_349 = arith.constant 128 : i32
        %mul3A_350 = arith.muli %add3A_348, %mul3A_349 : i32
        %dma_start3A_351 = arith.constant 2 : i32
        %dma_start3A_352 = arith.constant 0 : i32
        %dma_start3A_353 = arith.constant 0 : i32
        %dma_start3A_354 = tpu.memref_slice %arg6[%dma_start3A_351, %dma_start3A_352, %dma_start3A_353] : memref<4x128x128xf32, #tpu.memory_space<vmem>> -> memref<1x128x128xf32, #tpu.memory_space<vmem>>
        %dma_start3A_355 = tpu.memref_squeeze %dma_start3A_354 : memref<1x128x128xf32, #tpu.memory_space<vmem>> -> memref<128x128xf32, #tpu.memory_space<vmem>>
        %dma_start3A_356 = tpu.memref_slice %arg5[%mul3A_350] : memref<25600xi32, #tpu.memory_space<vmem>> -> memref<128xi32, #tpu.memory_space<vmem>>
        %dma_start3A_357 = arith.constant 0 : i32
        %dma_start3A_358 = arith.constant 0 : i32
        %dma_start3A_359 = tpu.memref_slice %arg3[%dma_start3A_357, %dma_start3A_358] : memref<1007616x128xf32, #tpu.memory_space<hbm>> -> memref<1007616x128xf32, #tpu.memory_space<hbm>>
        tpu.enqueue_indirect_dma source(%dma_start3A_359 : memref<1007616x128xf32, #tpu.memory_space<hbm>>) target(%dma_start3A_355 : memref<128x128xf32, #tpu.memory_space<vmem>>) offsets(%dma_start3A_356 : memref<128xi32, #tpu.memory_space<vmem>>) semaphore(%arg9 : memref<!tpu.dma_semaphore, #tpu.memory_space<semaphore_mem>>)
      } else {
      }
      %mul3A_131 = arith.constant 4 : i32
      %mul3A_132 = arith.muli %scan3A_70, %mul3A_131 : i32
      %add3A_133 = arith.constant 1 : i32
      %add3A_134 = arith.addi %mul3A_132, %add3A_133 : i32
      %dma_wait3A_135 = arith.constant 1 : i32
      %dma_wait3A_136 = arith.constant 0 : i32
      %dma_wait3A_137 = arith.constant 0 : i32
      %dma_wait3A_138 = tpu.memref_slice %arg6[%dma_wait3A_135, %dma_wait3A_136, %dma_wait3A_137] : memref<4x128x128xf32, #tpu.memory_space<vmem>> -> memref<1x128x128xf32, #tpu.memory_space<vmem>>
      %dma_wait3A_139 = tpu.memref_squeeze %dma_wait3A_138 : memref<1x128x128xf32, #tpu.memory_space<vmem>> -> memref<128x128xf32, #tpu.memory_space<vmem>>
      %dma_wait3A_140 = arith.constant 0 : i32
      %dma_wait3A_141 = tpu.memref_slice %arg5[%dma_wait3A_140] : memref<25600xi32, #tpu.memory_space<vmem>> -> memref<128xi32, #tpu.memory_space<vmem>>
      %dma_wait3A_142 = arith.constant 0 : i32
      %dma_wait3A_143 = arith.constant 0 : i32
      %dma_wait3A_144 = tpu.memref_slice %arg3[%dma_wait3A_142, %dma_wait3A_143] : memref<1007616x128xf32, #tpu.memory_space<hbm>> -> memref<1007616x128xf32, #tpu.memory_space<hbm>>
      tpu.wait_indirect_dma semaphore(%arg8 : memref<!tpu.dma_semaphore, #tpu.memory_space<semaphore_mem>>) src(%dma_wait3A_144 : memref<1007616x128xf32, #tpu.memory_space<hbm>>) dst(%dma_wait3A_139 : memref<128x128xf32, #tpu.memory_space<vmem>>)
      %jit3A_145 = arith.constant 4 : i32
      %div3A_146 = arith.divsi %add3A_134, %jit3A_145 : i32
      %sign3A_147 = arith.constant 0 : i32
      %sign3A_148 = arith.cmpi sgt, %add3A_134, %sign3A_147 : i32
      %sign3A_149 = arith.extui %sign3A_148 : i1 to i32
      %sign3A_150 = arith.constant 0 : i32
      %sign3A_151 = arith.cmpi slt, %add3A_134, %sign3A_150 : i32
      %sign3A_152 = arith.extui %sign3A_151 : i1 to i32
      %sign3A_153 = arith.subi %sign3A_149, %sign3A_152 : i32
      %sign3A_154 = arith.constant 0 : i32
      %sign3A_155 = arith.cmpi sgt, %jit3A_145, %sign3A_154 : i32
      %sign3A_156 = arith.extui %sign3A_155 : i1 to i32
      %sign3A_157 = arith.constant 0 : i32
      %sign3A_158 = arith.cmpi slt, %jit3A_145, %sign3A_157 : i32
      %sign3A_159 = arith.extui %sign3A_158 : i1 to i32
      %sign3A_160 = arith.subi %sign3A_156, %sign3A_159 : i32
      %ne3A_161 = arith.cmpi ne, %sign3A_153, %sign3A_160 : i32
      %rem3A_162 = arith.remsi %add3A_134, %jit3A_145 : i32
      %ne3A_163 = arith.constant 0 : i32
      %ne3A_164 = arith.cmpi ne, %rem3A_162, %ne3A_163 : i32
      %and3A_165 = arith.andi %ne3A_161, %ne3A_164 : i1
      %sub3A_166 = arith.constant 1 : i32
      %sub3A_167 = arith.subi %div3A_146, %sub3A_166 : i32
      %select_n3A_168 = arith.select %and3A_165, %sub3A_167, %div3A_146 : i32
      %mul3A_169 = arith.constant 4 : i32
      %mul3A_170 = arith.muli %select_n3A_168, %mul3A_169 : i32
      %sub3A_171 = arith.subi %add3A_134, %mul3A_170 : i32
      %mul3A_172 = arith.constant 16384 : i32
      %mul3A_173 = arith.muli %select_n3A_168, %mul3A_172 : i32
      %add3A_174 = arith.addi %mul3A_173, %mul3A_2 : i32
      %mul3A_175 = arith.constant 128 : i32
      %mul3A_176 = arith.muli %sub3A_171, %mul3A_175 : i32
      %add3A_177 = arith.addi %add3A_174, %mul3A_176 : i32
      %dma_start3A_178 = arith.constant 1 : i32
      %dma_start3A_179 = arith.constant 0 : i32
      %dma_start3A_180 = arith.constant 0 : i32
      %dma_start3A_181 = tpu.memref_slice %arg6[%dma_start3A_178, %dma_start3A_179, %dma_start3A_180] : memref<4x128x128xf32, #tpu.memory_space<vmem>> -> memref<1x128x128xf32, #tpu.memory_space<vmem>>
      %dma_start3A_182 = tpu.memref_squeeze %dma_start3A_181 : memref<1x128x128xf32, #tpu.memory_space<vmem>> -> memref<128x128xf32, #tpu.memory_space<vmem>>
      %dma_start3A_183 = arith.constant 0 : i32
      %dma_start3A_184 = tpu.memref_slice %arg4[%add3A_177, %dma_start3A_183] : memref<819200x128xf32, #tpu.memory_space<hbm>> -> memref<128x128xf32, #tpu.memory_space<hbm>>
      %dma_start3A_185 = arith.constant 0 : i32
      %dma_start3A_186 = tpu.memref_slice %arg4[%add3A_177, %dma_start3A_185] : memref<819200x128xf32, #tpu.memory_space<hbm>> -> memref<128x128xf32, #tpu.memory_space<hbm>>
      %dma_start3A_187 = arith.constant 0 : i32
      %dma_start3A_188 = arith.constant 0 : i32
      %dma_start3A_189 = tpu.memref_slice %arg6[%dma_start3A_178, %dma_start3A_187, %dma_start3A_188] : memref<4x128x128xf32, #tpu.memory_space<vmem>> -> memref<1x128x128xf32, #tpu.memory_space<vmem>>
      %dma_start3A_190 = tpu.memref_squeeze %dma_start3A_189 : memref<1x128x128xf32, #tpu.memory_space<vmem>> -> memref<128x128xf32, #tpu.memory_space<vmem>>
      tpu.enqueue_dma source(%dma_start3A_190 : memref<128x128xf32, #tpu.memory_space<vmem>>) target(%dma_start3A_186 : memref<128x128xf32, #tpu.memory_space<hbm>>) target_semaphore(%arg12 : memref<!tpu.dma_semaphore, #tpu.memory_space<semaphore_mem>>)
      %ge3A_191 = arith.constant 2 : i32
      %ge3A_192 = arith.cmpi sge, %add3A_134, %ge3A_191 : i32
      %convert_element_type3A_193 = arith.extui %ge3A_192 : i1 to i32
      %cond3A_194 = arith.constant 0 : i32
      %cond3A_195 = arith.cmpi ne, %convert_element_type3A_193, %cond3A_194 : i32
      scf.if %cond3A_195 {
        %sub3A_347 = arith.constant 2 : i32
        %sub3A_348 = arith.subi %add3A_134, %sub3A_347 : i32
        %jit3A_349 = arith.constant 4 : i32
        %div3A_350 = arith.divsi %sub3A_348, %jit3A_349 : i32
        %sign3A_351 = arith.constant 0 : i32
        %sign3A_352 = arith.cmpi sgt, %sub3A_348, %sign3A_351 : i32
        %sign3A_353 = arith.extui %sign3A_352 : i1 to i32
        %sign3A_354 = arith.constant 0 : i32
        %sign3A_355 = arith.cmpi slt, %sub3A_348, %sign3A_354 : i32
        %sign3A_356 = arith.extui %sign3A_355 : i1 to i32
        %sign3A_357 = arith.subi %sign3A_353, %sign3A_356 : i32
        %sign3A_358 = arith.constant 0 : i32
        %sign3A_359 = arith.cmpi sgt, %jit3A_349, %sign3A_358 : i32
        %sign3A_360 = arith.extui %sign3A_359 : i1 to i32
        %sign3A_361 = arith.constant 0 : i32
        %sign3A_362 = arith.cmpi slt, %jit3A_349, %sign3A_361 : i32
        %sign3A_363 = arith.extui %sign3A_362 : i1 to i32
        %sign3A_364 = arith.subi %sign3A_360, %sign3A_363 : i32
        %ne3A_365 = arith.cmpi ne, %sign3A_357, %sign3A_364 : i32
        %rem3A_366 = arith.remsi %sub3A_348, %jit3A_349 : i32
        %ne3A_367 = arith.constant 0 : i32
        %ne3A_368 = arith.cmpi ne, %rem3A_366, %ne3A_367 : i32
        %and3A_369 = arith.andi %ne3A_365, %ne3A_368 : i1
        %sub3A_370 = arith.constant 1 : i32
        %sub3A_371 = arith.subi %div3A_350, %sub3A_370 : i32
        %select_n3A_372 = arith.select %and3A_369, %sub3A_371, %div3A_350 : i32
        %mul3A_373 = arith.constant 4 : i32
        %mul3A_374 = arith.muli %select_n3A_372, %mul3A_373 : i32
        %sub3A_375 = arith.subi %sub3A_348, %mul3A_374 : i32
        %mul3A_376 = arith.constant 16384 : i32
        %mul3A_377 = arith.muli %select_n3A_372, %mul3A_376 : i32
        %add3A_378 = arith.addi %mul3A_377, %mul3A_2 : i32
        %mul3A_379 = arith.constant 128 : i32
        %mul3A_380 = arith.muli %sub3A_375, %mul3A_379 : i32
        %add3A_381 = arith.addi %add3A_378, %mul3A_380 : i32
        %dma_wait3A_382 = arith.constant 3 : i32
        %dma_wait3A_383 = arith.constant 0 : i32
        %dma_wait3A_384 = arith.constant 0 : i32
        %dma_wait3A_385 = tpu.memref_slice %arg6[%dma_wait3A_382, %dma_wait3A_383, %dma_wait3A_384] : memref<4x128x128xf32, #tpu.memory_space<vmem>> -> memref<1x128x128xf32, #tpu.memory_space<vmem>>
        %dma_wait3A_386 = tpu.memref_squeeze %dma_wait3A_385 : memref<1x128x128xf32, #tpu.memory_space<vmem>> -> memref<128x128xf32, #tpu.memory_space<vmem>>
        %dma_wait3A_387 = arith.constant 0 : i32
        %dma_wait3A_388 = tpu.memref_slice %arg4[%add3A_381, %dma_wait3A_387] : memref<819200x128xf32, #tpu.memory_space<hbm>> -> memref<128x128xf32, #tpu.memory_space<hbm>>
        %dma_wait3A_389 = arith.constant 0 : i32
        %dma_wait3A_390 = tpu.memref_slice %arg4[%add3A_381, %dma_wait3A_389] : memref<819200x128xf32, #tpu.memory_space<hbm>> -> memref<128x128xf32, #tpu.memory_space<hbm>>
        %dma_wait3A_391 = arith.constant 0 : i32
        %dma_wait3A_392 = arith.constant 0 : i32
        %dma_wait3A_393 = tpu.memref_slice %arg6[%dma_wait3A_382, %dma_wait3A_391, %dma_wait3A_392] : memref<4x128x128xf32, #tpu.memory_space<vmem>> -> memref<1x128x128xf32, #tpu.memory_space<vmem>>
        %dma_wait3A_394 = tpu.memref_squeeze %dma_wait3A_393 : memref<1x128x128xf32, #tpu.memory_space<vmem>> -> memref<128x128xf32, #tpu.memory_space<vmem>>
        tpu.wait_dma2 semaphore(%arg14 : memref<!tpu.dma_semaphore, #tpu.memory_space<semaphore_mem>>) src(%dma_wait3A_394 : memref<128x128xf32, #tpu.memory_space<vmem>>) dst(%dma_wait3A_390 : memref<128x128xf32, #tpu.memory_space<hbm>>)
      } else {
      }
      %add3A_196 = arith.constant 2 : i32
      %add3A_197 = arith.addi %add3A_134, %add3A_196 : i32
      %lt3A_198 = arith.constant 200 : i32
      %lt3A_199 = arith.cmpi slt, %add3A_197, %lt3A_198 : i32
      %convert_element_type3A_200 = arith.extui %lt3A_199 : i1 to i32
      %cond3A_201 = arith.constant 0 : i32
      %cond3A_202 = arith.cmpi ne, %convert_element_type3A_200, %cond3A_201 : i32
      scf.if %cond3A_202 {
        %add3A_347 = arith.constant 2 : i32
        %add3A_348 = arith.addi %add3A_134, %add3A_347 : i32
        %mul3A_349 = arith.constant 128 : i32
        %mul3A_350 = arith.muli %add3A_348, %mul3A_349 : i32
        %dma_start3A_351 = arith.constant 3 : i32
        %dma_start3A_352 = arith.constant 0 : i32
        %dma_start3A_353 = arith.constant 0 : i32
        %dma_start3A_354 = tpu.memref_slice %arg6[%dma_start3A_351, %dma_start3A_352, %dma_start3A_353] : memref<4x128x128xf32, #tpu.memory_space<vmem>> -> memref<1x128x128xf32, #tpu.memory_space<vmem>>
        %dma_start3A_355 = tpu.memref_squeeze %dma_start3A_354 : memref<1x128x128xf32, #tpu.memory_space<vmem>> -> memref<128x128xf32, #tpu.memory_space<vmem>>
        %dma_start3A_356 = tpu.memref_slice %arg5[%mul3A_350] : memref<25600xi32, #tpu.memory_space<vmem>> -> memref<128xi32, #tpu.memory_space<vmem>>
        %dma_start3A_357 = arith.constant 0 : i32
        %dma_start3A_358 = arith.constant 0 : i32
        %dma_start3A_359 = tpu.memref_slice %arg3[%dma_start3A_357, %dma_start3A_358] : memref<1007616x128xf32, #tpu.memory_space<hbm>> -> memref<1007616x128xf32, #tpu.memory_space<hbm>>
        tpu.enqueue_indirect_dma source(%dma_start3A_359 : memref<1007616x128xf32, #tpu.memory_space<hbm>>) target(%dma_start3A_355 : memref<128x128xf32, #tpu.memory_space<vmem>>) offsets(%dma_start3A_356 : memref<128xi32, #tpu.memory_space<vmem>>) semaphore(%arg10 : memref<!tpu.dma_semaphore, #tpu.memory_space<semaphore_mem>>)
      } else {
      }
      %mul3A_203 = arith.constant 4 : i32
      %mul3A_204 = arith.muli %scan3A_70, %mul3A_203 : i32
      %add3A_205 = arith.constant 2 : i32
      %add3A_206 = arith.addi %mul3A_204, %add3A_205 : i32
      %dma_wait3A_207 = arith.constant 2 : i32
      %dma_wait3A_208 = arith.constant 0 : i32
      %dma_wait3A_209 = arith.constant 0 : i32
      %dma_wait3A_210 = tpu.memref_slice %arg6[%dma_wait3A_207, %dma_wait3A_208, %dma_wait3A_209] : memref<4x128x128xf32, #tpu.memory_space<vmem>> -> memref<1x128x128xf32, #tpu.memory_space<vmem>>
      %dma_wait3A_211 = tpu.memref_squeeze %dma_wait3A_210 : memref<1x128x128xf32, #tpu.memory_space<vmem>> -> memref<128x128xf32, #tpu.memory_space<vmem>>
      %dma_wait3A_212 = arith.constant 0 : i32
      %dma_wait3A_213 = tpu.memref_slice %arg5[%dma_wait3A_212] : memref<25600xi32, #tpu.memory_space<vmem>> -> memref<128xi32, #tpu.memory_space<vmem>>
      %dma_wait3A_214 = arith.constant 0 : i32
      %dma_wait3A_215 = arith.constant 0 : i32
      %dma_wait3A_216 = tpu.memref_slice %arg3[%dma_wait3A_214, %dma_wait3A_215] : memref<1007616x128xf32, #tpu.memory_space<hbm>> -> memref<1007616x128xf32, #tpu.memory_space<hbm>>
      tpu.wait_indirect_dma semaphore(%arg9 : memref<!tpu.dma_semaphore, #tpu.memory_space<semaphore_mem>>) src(%dma_wait3A_216 : memref<1007616x128xf32, #tpu.memory_space<hbm>>) dst(%dma_wait3A_211 : memref<128x128xf32, #tpu.memory_space<vmem>>)
      %jit3A_217 = arith.constant 4 : i32
      %div3A_218 = arith.divsi %add3A_206, %jit3A_217 : i32
      %sign3A_219 = arith.constant 0 : i32
      %sign3A_220 = arith.cmpi sgt, %add3A_206, %sign3A_219 : i32
      %sign3A_221 = arith.extui %sign3A_220 : i1 to i32
      %sign3A_222 = arith.constant 0 : i32
      %sign3A_223 = arith.cmpi slt, %add3A_206, %sign3A_222 : i32
      %sign3A_224 = arith.extui %sign3A_223 : i1 to i32
      %sign3A_225 = arith.subi %sign3A_221, %sign3A_224 : i32
      %sign3A_226 = arith.constant 0 : i32
      %sign3A_227 = arith.cmpi sgt, %jit3A_217, %sign3A_226 : i32
      %sign3A_228 = arith.extui %sign3A_227 : i1 to i32
      %sign3A_229 = arith.constant 0 : i32
      %sign3A_230 = arith.cmpi slt, %jit3A_217, %sign3A_229 : i32
      %sign3A_231 = arith.extui %sign3A_230 : i1 to i32
      %sign3A_232 = arith.subi %sign3A_228, %sign3A_231 : i32
      %ne3A_233 = arith.cmpi ne, %sign3A_225, %sign3A_232 : i32
      %rem3A_234 = arith.remsi %add3A_206, %jit3A_217 : i32
      %ne3A_235 = arith.constant 0 : i32
      %ne3A_236 = arith.cmpi ne, %rem3A_234, %ne3A_235 : i32
      %and3A_237 = arith.andi %ne3A_233, %ne3A_236 : i1
      %sub3A_238 = arith.constant 1 : i32
      %sub3A_239 = arith.subi %div3A_218, %sub3A_238 : i32
      %select_n3A_240 = arith.select %and3A_237, %sub3A_239, %div3A_218 : i32
      %mul3A_241 = arith.constant 4 : i32
      %mul3A_242 = arith.muli %select_n3A_240, %mul3A_241 : i32
      %sub3A_243 = arith.subi %add3A_206, %mul3A_242 : i32
      %mul3A_244 = arith.constant 16384 : i32
      %mul3A_245 = arith.muli %select_n3A_240, %mul3A_244 : i32
      %add3A_246 = arith.addi %mul3A_245, %mul3A_2 : i32
      %mul3A_247 = arith.constant 128 : i32
      %mul3A_248 = arith.muli %sub3A_243, %mul3A_247 : i32
      %add3A_249 = arith.addi %add3A_246, %mul3A_248 : i32
      %dma_start3A_250 = arith.constant 2 : i32
      %dma_start3A_251 = arith.constant 0 : i32
      %dma_start3A_252 = arith.constant 0 : i32
      %dma_start3A_253 = tpu.memref_slice %arg6[%dma_start3A_250, %dma_start3A_251, %dma_start3A_252] : memref<4x128x128xf32, #tpu.memory_space<vmem>> -> memref<1x128x128xf32, #tpu.memory_space<vmem>>
      %dma_start3A_254 = tpu.memref_squeeze %dma_start3A_253 : memref<1x128x128xf32, #tpu.memory_space<vmem>> -> memref<128x128xf32, #tpu.memory_space<vmem>>
      %dma_start3A_255 = arith.constant 0 : i32
      %dma_start3A_256 = tpu.memref_slice %arg4[%add3A_249, %dma_start3A_255] : memref<819200x128xf32, #tpu.memory_space<hbm>> -> memref<128x128xf32, #tpu.memory_space<hbm>>
      %dma_start3A_257 = arith.constant 0 : i32
      %dma_start3A_258 = tpu.memref_slice %arg4[%add3A_249, %dma_start3A_257] : memref<819200x128xf32, #tpu.memory_space<hbm>> -> memref<128x128xf32, #tpu.memory_space<hbm>>
      %dma_start3A_259 = arith.constant 0 : i32
      %dma_start3A_260 = arith.constant 0 : i32
      %dma_start3A_261 = tpu.memref_slice %arg6[%dma_start3A_250, %dma_start3A_259, %dma_start3A_260] : memref<4x128x128xf32, #tpu.memory_space<vmem>> -> memref<1x128x128xf32, #tpu.memory_space<vmem>>
      %dma_start3A_262 = tpu.memref_squeeze %dma_start3A_261 : memref<1x128x128xf32, #tpu.memory_space<vmem>> -> memref<128x128xf32, #tpu.memory_space<vmem>>
      tpu.enqueue_dma source(%dma_start3A_262 : memref<128x128xf32, #tpu.memory_space<vmem>>) target(%dma_start3A_258 : memref<128x128xf32, #tpu.memory_space<hbm>>) target_semaphore(%arg13 : memref<!tpu.dma_semaphore, #tpu.memory_space<semaphore_mem>>)
      %ge3A_263 = arith.constant 2 : i32
      %ge3A_264 = arith.cmpi sge, %add3A_206, %ge3A_263 : i32
      %convert_element_type3A_265 = arith.extui %ge3A_264 : i1 to i32
      %cond3A_266 = arith.constant 0 : i32
      %cond3A_267 = arith.cmpi ne, %convert_element_type3A_265, %cond3A_266 : i32
      scf.if %cond3A_267 {
        %sub3A_347 = arith.constant 2 : i32
        %sub3A_348 = arith.subi %add3A_206, %sub3A_347 : i32
        %jit3A_349 = arith.constant 4 : i32
        %div3A_350 = arith.divsi %sub3A_348, %jit3A_349 : i32
        %sign3A_351 = arith.constant 0 : i32
        %sign3A_352 = arith.cmpi sgt, %sub3A_348, %sign3A_351 : i32
        %sign3A_353 = arith.extui %sign3A_352 : i1 to i32
        %sign3A_354 = arith.constant 0 : i32
        %sign3A_355 = arith.cmpi slt, %sub3A_348, %sign3A_354 : i32
        %sign3A_356 = arith.extui %sign3A_355 : i1 to i32
        %sign3A_357 = arith.subi %sign3A_353, %sign3A_356 : i32
        %sign3A_358 = arith.constant 0 : i32
        %sign3A_359 = arith.cmpi sgt, %jit3A_349, %sign3A_358 : i32
        %sign3A_360 = arith.extui %sign3A_359 : i1 to i32
        %sign3A_361 = arith.constant 0 : i32
        %sign3A_362 = arith.cmpi slt, %jit3A_349, %sign3A_361 : i32
        %sign3A_363 = arith.extui %sign3A_362 : i1 to i32
        %sign3A_364 = arith.subi %sign3A_360, %sign3A_363 : i32
        %ne3A_365 = arith.cmpi ne, %sign3A_357, %sign3A_364 : i32
        %rem3A_366 = arith.remsi %sub3A_348, %jit3A_349 : i32
        %ne3A_367 = arith.constant 0 : i32
        %ne3A_368 = arith.cmpi ne, %rem3A_366, %ne3A_367 : i32
        %and3A_369 = arith.andi %ne3A_365, %ne3A_368 : i1
        %sub3A_370 = arith.constant 1 : i32
        %sub3A_371 = arith.subi %div3A_350, %sub3A_370 : i32
        %select_n3A_372 = arith.select %and3A_369, %sub3A_371, %div3A_350 : i32
        %mul3A_373 = arith.constant 4 : i32
        %mul3A_374 = arith.muli %select_n3A_372, %mul3A_373 : i32
        %sub3A_375 = arith.subi %sub3A_348, %mul3A_374 : i32
        %mul3A_376 = arith.constant 16384 : i32
        %mul3A_377 = arith.muli %select_n3A_372, %mul3A_376 : i32
        %add3A_378 = arith.addi %mul3A_377, %mul3A_2 : i32
        %mul3A_379 = arith.constant 128 : i32
        %mul3A_380 = arith.muli %sub3A_375, %mul3A_379 : i32
        %add3A_381 = arith.addi %add3A_378, %mul3A_380 : i32
        %dma_wait3A_382 = arith.constant 0 : i32
        %dma_wait3A_383 = arith.constant 0 : i32
        %dma_wait3A_384 = arith.constant 0 : i32
        %dma_wait3A_385 = tpu.memref_slice %arg6[%dma_wait3A_382, %dma_wait3A_383, %dma_wait3A_384] : memref<4x128x128xf32, #tpu.memory_space<vmem>> -> memref<1x128x128xf32, #tpu.memory_space<vmem>>
        %dma_wait3A_386 = tpu.memref_squeeze %dma_wait3A_385 : memref<1x128x128xf32, #tpu.memory_space<vmem>> -> memref<128x128xf32, #tpu.memory_space<vmem>>
        %dma_wait3A_387 = arith.constant 0 : i32
        %dma_wait3A_388 = tpu.memref_slice %arg4[%add3A_381, %dma_wait3A_387] : memref<819200x128xf32, #tpu.memory_space<hbm>> -> memref<128x128xf32, #tpu.memory_space<hbm>>
        %dma_wait3A_389 = arith.constant 0 : i32
        %dma_wait3A_390 = tpu.memref_slice %arg4[%add3A_381, %dma_wait3A_389] : memref<819200x128xf32, #tpu.memory_space<hbm>> -> memref<128x128xf32, #tpu.memory_space<hbm>>
        %dma_wait3A_391 = arith.constant 0 : i32
        %dma_wait3A_392 = arith.constant 0 : i32
        %dma_wait3A_393 = tpu.memref_slice %arg6[%dma_wait3A_382, %dma_wait3A_391, %dma_wait3A_392] : memref<4x128x128xf32, #tpu.memory_space<vmem>> -> memref<1x128x128xf32, #tpu.memory_space<vmem>>
        %dma_wait3A_394 = tpu.memref_squeeze %dma_wait3A_393 : memref<1x128x128xf32, #tpu.memory_space<vmem>> -> memref<128x128xf32, #tpu.memory_space<vmem>>
        tpu.wait_dma2 semaphore(%arg11 : memref<!tpu.dma_semaphore, #tpu.memory_space<semaphore_mem>>) src(%dma_wait3A_394 : memref<128x128xf32, #tpu.memory_space<vmem>>) dst(%dma_wait3A_390 : memref<128x128xf32, #tpu.memory_space<hbm>>)
      } else {
      }
      %add3A_268 = arith.constant 2 : i32
      %add3A_269 = arith.addi %add3A_206, %add3A_268 : i32
      %lt3A_270 = arith.constant 200 : i32
      %lt3A_271 = arith.cmpi slt, %add3A_269, %lt3A_270 : i32
      %convert_element_type3A_272 = arith.extui %lt3A_271 : i1 to i32
      %cond3A_273 = arith.constant 0 : i32
      %cond3A_274 = arith.cmpi ne, %convert_element_type3A_272, %cond3A_273 : i32
      scf.if %cond3A_274 {
        %add3A_347 = arith.constant 2 : i32
        %add3A_348 = arith.addi %add3A_206, %add3A_347 : i32
        %mul3A_349 = arith.constant 128 : i32
        %mul3A_350 = arith.muli %add3A_348, %mul3A_349 : i32
        %dma_start3A_351 = arith.constant 0 : i32
        %dma_start3A_352 = arith.constant 0 : i32
        %dma_start3A_353 = arith.constant 0 : i32
        %dma_start3A_354 = tpu.memref_slice %arg6[%dma_start3A_351, %dma_start3A_352, %dma_start3A_353] : memref<4x128x128xf32, #tpu.memory_space<vmem>> -> memref<1x128x128xf32, #tpu.memory_space<vmem>>
        %dma_start3A_355 = tpu.memref_squeeze %dma_start3A_354 : memref<1x128x128xf32, #tpu.memory_space<vmem>> -> memref<128x128xf32, #tpu.memory_space<vmem>>
        %dma_start3A_356 = tpu.memref_slice %arg5[%mul3A_350] : memref<25600xi32, #tpu.memory_space<vmem>> -> memref<128xi32, #tpu.memory_space<vmem>>
        %dma_start3A_357 = arith.constant 0 : i32
        %dma_start3A_358 = arith.constant 0 : i32
        %dma_start3A_359 = tpu.memref_slice %arg3[%dma_start3A_357, %dma_start3A_358] : memref<1007616x128xf32, #tpu.memory_space<hbm>> -> memref<1007616x128xf32, #tpu.memory_space<hbm>>
        tpu.enqueue_indirect_dma source(%dma_start3A_359 : memref<1007616x128xf32, #tpu.memory_space<hbm>>) target(%dma_start3A_355 : memref<128x128xf32, #tpu.memory_space<vmem>>) offsets(%dma_start3A_356 : memref<128xi32, #tpu.memory_space<vmem>>) semaphore(%arg7 : memref<!tpu.dma_semaphore, #tpu.memory_space<semaphore_mem>>)
      } else {
      }
      %mul3A_275 = arith.constant 4 : i32
      %mul3A_276 = arith.muli %scan3A_70, %mul3A_275 : i32
      %add3A_277 = arith.constant 3 : i32
      %add3A_278 = arith.addi %mul3A_276, %add3A_277 : i32
      %dma_wait3A_279 = arith.constant 3 : i32
      %dma_wait3A_280 = arith.constant 0 : i32
      %dma_wait3A_281 = arith.constant 0 : i32
      %dma_wait3A_282 = tpu.memref_slice %arg6[%dma_wait3A_279, %dma_wait3A_280, %dma_wait3A_281] : memref<4x128x128xf32, #tpu.memory_space<vmem>> -> memref<1x128x128xf32, #tpu.memory_space<vmem>>
      %dma_wait3A_283 = tpu.memref_squeeze %dma_wait3A_282 : memref<1x128x128xf32, #tpu.memory_space<vmem>> -> memref<128x128xf32, #tpu.memory_space<vmem>>
      %dma_wait3A_284 = arith.constant 0 : i32
      %dma_wait3A_285 = tpu.memref_slice %arg5[%dma_wait3A_284] : memref<25600xi32, #tpu.memory_space<vmem>> -> memref<128xi32, #tpu.memory_space<vmem>>
      %dma_wait3A_286 = arith.constant 0 : i32
      %dma_wait3A_287 = arith.constant 0 : i32
      %dma_wait3A_288 = tpu.memref_slice %arg3[%dma_wait3A_286, %dma_wait3A_287] : memref<1007616x128xf32, #tpu.memory_space<hbm>> -> memref<1007616x128xf32, #tpu.memory_space<hbm>>
      tpu.wait_indirect_dma semaphore(%arg10 : memref<!tpu.dma_semaphore, #tpu.memory_space<semaphore_mem>>) src(%dma_wait3A_288 : memref<1007616x128xf32, #tpu.memory_space<hbm>>) dst(%dma_wait3A_283 : memref<128x128xf32, #tpu.memory_space<vmem>>)
      %jit3A_289 = arith.constant 4 : i32
      %div3A_290 = arith.divsi %add3A_278, %jit3A_289 : i32
      %sign3A_291 = arith.constant 0 : i32
      %sign3A_292 = arith.cmpi sgt, %add3A_278, %sign3A_291 : i32
      %sign3A_293 = arith.extui %sign3A_292 : i1 to i32
      %sign3A_294 = arith.constant 0 : i32
      %sign3A_295 = arith.cmpi slt, %add3A_278, %sign3A_294 : i32
      %sign3A_296 = arith.extui %sign3A_295 : i1 to i32
      %sign3A_297 = arith.subi %sign3A_293, %sign3A_296 : i32
      %sign3A_298 = arith.constant 0 : i32
      %sign3A_299 = arith.cmpi sgt, %jit3A_289, %sign3A_298 : i32
      %sign3A_300 = arith.extui %sign3A_299 : i1 to i32
      %sign3A_301 = arith.constant 0 : i32
      %sign3A_302 = arith.cmpi slt, %jit3A_289, %sign3A_301 : i32
      %sign3A_303 = arith.extui %sign3A_302 : i1 to i32
      %sign3A_304 = arith.subi %sign3A_300, %sign3A_303 : i32
      %ne3A_305 = arith.cmpi ne, %sign3A_297, %sign3A_304 : i32
      %rem3A_306 = arith.remsi %add3A_278, %jit3A_289 : i32
      %ne3A_307 = arith.constant 0 : i32
      %ne3A_308 = arith.cmpi ne, %rem3A_306, %ne3A_307 : i32
      %and3A_309 = arith.andi %ne3A_305, %ne3A_308 : i1
      %sub3A_310 = arith.constant 1 : i32
      %sub3A_311 = arith.subi %div3A_290, %sub3A_310 : i32
      %select_n3A_312 = arith.select %and3A_309, %sub3A_311, %div3A_290 : i32
      %mul3A_313 = arith.constant 4 : i32
      %mul3A_314 = arith.muli %select_n3A_312, %mul3A_313 : i32
      %sub3A_315 = arith.subi %add3A_278, %mul3A_314 : i32
      %mul3A_316 = arith.constant 16384 : i32
      %mul3A_317 = arith.muli %select_n3A_312, %mul3A_316 : i32
      %add3A_318 = arith.addi %mul3A_317, %mul3A_2 : i32
      %mul3A_319 = arith.constant 128 : i32
      %mul3A_320 = arith.muli %sub3A_315, %mul3A_319 : i32
      %add3A_321 = arith.addi %add3A_318, %mul3A_320 : i32
      %dma_start3A_322 = arith.constant 3 : i32
      %dma_start3A_323 = arith.constant 0 : i32
      %dma_start3A_324 = arith.constant 0 : i32
      %dma_start3A_325 = tpu.memref_slice %arg6[%dma_start3A_322, %dma_start3A_323, %dma_start3A_324] : memref<4x128x128xf32, #tpu.memory_space<vmem>> -> memref<1x128x128xf32, #tpu.memory_space<vmem>>
      %dma_start3A_326 = tpu.memref_squeeze %dma_start3A_325 : memref<1x128x128xf32, #tpu.memory_space<vmem>> -> memref<128x128xf32, #tpu.memory_space<vmem>>
      %dma_start3A_327 = arith.constant 0 : i32
      %dma_start3A_328 = tpu.memref_slice %arg4[%add3A_321, %dma_start3A_327] : memref<819200x128xf32, #tpu.memory_space<hbm>> -> memref<128x128xf32, #tpu.memory_space<hbm>>
      %dma_start3A_329 = arith.constant 0 : i32
      %dma_start3A_330 = tpu.memref_slice %arg4[%add3A_321, %dma_start3A_329] : memref<819200x128xf32, #tpu.memory_space<hbm>> -> memref<128x128xf32, #tpu.memory_space<hbm>>
      %dma_start3A_331 = arith.constant 0 : i32
      %dma_start3A_332 = arith.constant 0 : i32
      %dma_start3A_333 = tpu.memref_slice %arg6[%dma_start3A_322, %dma_start3A_331, %dma_start3A_332] : memref<4x128x128xf32, #tpu.memory_space<vmem>> -> memref<1x128x128xf32, #tpu.memory_space<vmem>>
      %dma_start3A_334 = tpu.memref_squeeze %dma_start3A_333 : memref<1x128x128xf32, #tpu.memory_space<vmem>> -> memref<128x128xf32, #tpu.memory_space<vmem>>
      tpu.enqueue_dma source(%dma_start3A_334 : memref<128x128xf32, #tpu.memory_space<vmem>>) target(%dma_start3A_330 : memref<128x128xf32, #tpu.memory_space<hbm>>) target_semaphore(%arg14 : memref<!tpu.dma_semaphore, #tpu.memory_space<semaphore_mem>>)
      %ge3A_335 = arith.constant 2 : i32
      %ge3A_336 = arith.cmpi sge, %add3A_278, %ge3A_335 : i32
      %convert_element_type3A_337 = arith.extui %ge3A_336 : i1 to i32
      %cond3A_338 = arith.constant 0 : i32
      %cond3A_339 = arith.cmpi ne, %convert_element_type3A_337, %cond3A_338 : i32
      scf.if %cond3A_339 {
        %sub3A_347 = arith.constant 2 : i32
        %sub3A_348 = arith.subi %add3A_278, %sub3A_347 : i32
        %jit3A_349 = arith.constant 4 : i32
        %div3A_350 = arith.divsi %sub3A_348, %jit3A_349 : i32
        %sign3A_351 = arith.constant 0 : i32
        %sign3A_352 = arith.cmpi sgt, %sub3A_348, %sign3A_351 : i32
        %sign3A_353 = arith.extui %sign3A_352 : i1 to i32
        %sign3A_354 = arith.constant 0 : i32
        %sign3A_355 = arith.cmpi slt, %sub3A_348, %sign3A_354 : i32
        %sign3A_356 = arith.extui %sign3A_355 : i1 to i32
        %sign3A_357 = arith.subi %sign3A_353, %sign3A_356 : i32
        %sign3A_358 = arith.constant 0 : i32
        %sign3A_359 = arith.cmpi sgt, %jit3A_349, %sign3A_358 : i32
        %sign3A_360 = arith.extui %sign3A_359 : i1 to i32
        %sign3A_361 = arith.constant 0 : i32
        %sign3A_362 = arith.cmpi slt, %jit3A_349, %sign3A_361 : i32
        %sign3A_363 = arith.extui %sign3A_362 : i1 to i32
        %sign3A_364 = arith.subi %sign3A_360, %sign3A_363 : i32
        %ne3A_365 = arith.cmpi ne, %sign3A_357, %sign3A_364 : i32
        %rem3A_366 = arith.remsi %sub3A_348, %jit3A_349 : i32
        %ne3A_367 = arith.constant 0 : i32
        %ne3A_368 = arith.cmpi ne, %rem3A_366, %ne3A_367 : i32
        %and3A_369 = arith.andi %ne3A_365, %ne3A_368 : i1
        %sub3A_370 = arith.constant 1 : i32
        %sub3A_371 = arith.subi %div3A_350, %sub3A_370 : i32
        %select_n3A_372 = arith.select %and3A_369, %sub3A_371, %div3A_350 : i32
        %mul3A_373 = arith.constant 4 : i32
        %mul3A_374 = arith.muli %select_n3A_372, %mul3A_373 : i32
        %sub3A_375 = arith.subi %sub3A_348, %mul3A_374 : i32
        %mul3A_376 = arith.constant 16384 : i32
        %mul3A_377 = arith.muli %select_n3A_372, %mul3A_376 : i32
        %add3A_378 = arith.addi %mul3A_377, %mul3A_2 : i32
        %mul3A_379 = arith.constant 128 : i32
        %mul3A_380 = arith.muli %sub3A_375, %mul3A_379 : i32
        %add3A_381 = arith.addi %add3A_378, %mul3A_380 : i32
        %dma_wait3A_382 = arith.constant 1 : i32
        %dma_wait3A_383 = arith.constant 0 : i32
        %dma_wait3A_384 = arith.constant 0 : i32
        %dma_wait3A_385 = tpu.memref_slice %arg6[%dma_wait3A_382, %dma_wait3A_383, %dma_wait3A_384] : memref<4x128x128xf32, #tpu.memory_space<vmem>> -> memref<1x128x128xf32, #tpu.memory_space<vmem>>
        %dma_wait3A_386 = tpu.memref_squeeze %dma_wait3A_385 : memref<1x128x128xf32, #tpu.memory_space<vmem>> -> memref<128x128xf32, #tpu.memory_space<vmem>>
        %dma_wait3A_387 = arith.constant 0 : i32
        %dma_wait3A_388 = tpu.memref_slice %arg4[%add3A_381, %dma_wait3A_387] : memref<819200x128xf32, #tpu.memory_space<hbm>> -> memref<128x128xf32, #tpu.memory_space<hbm>>
        %dma_wait3A_389 = arith.constant 0 : i32
        %dma_wait3A_390 = tpu.memref_slice %arg4[%add3A_381, %dma_wait3A_389] : memref<819200x128xf32, #tpu.memory_space<hbm>> -> memref<128x128xf32, #tpu.memory_space<hbm>>
        %dma_wait3A_391 = arith.constant 0 : i32
        %dma_wait3A_392 = arith.constant 0 : i32
        %dma_wait3A_393 = tpu.memref_slice %arg6[%dma_wait3A_382, %dma_wait3A_391, %dma_wait3A_392] : memref<4x128x128xf32, #tpu.memory_space<vmem>> -> memref<1x128x128xf32, #tpu.memory_space<vmem>>
        %dma_wait3A_394 = tpu.memref_squeeze %dma_wait3A_393 : memref<1x128x128xf32, #tpu.memory_space<vmem>> -> memref<128x128xf32, #tpu.memory_space<vmem>>
        tpu.wait_dma2 semaphore(%arg12 : memref<!tpu.dma_semaphore, #tpu.memory_space<semaphore_mem>>) src(%dma_wait3A_394 : memref<128x128xf32, #tpu.memory_space<vmem>>) dst(%dma_wait3A_390 : memref<128x128xf32, #tpu.memory_space<hbm>>)
      } else {
      }
      %add3A_340 = arith.constant 2 : i32
      %add3A_341 = arith.addi %add3A_278, %add3A_340 : i32
      %lt3A_342 = arith.constant 200 : i32
      %lt3A_343 = arith.cmpi slt, %add3A_341, %lt3A_342 : i32
      %convert_element_type3A_344 = arith.extui %lt3A_343 : i1 to i32
      %cond3A_345 = arith.constant 0 : i32
      %cond3A_346 = arith.cmpi ne, %convert_element_type3A_344, %cond3A_345 : i32
      scf.if %cond3A_346 {
        %add3A_347 = arith.constant 2 : i32
        %add3A_348 = arith.addi %add3A_278, %add3A_347 : i32
        %mul3A_349 = arith.constant 128 : i32
        %mul3A_350 = arith.muli %add3A_348, %mul3A_349 : i32
        %dma_start3A_351 = arith.constant 1 : i32
        %dma_start3A_352 = arith.constant 0 : i32
        %dma_start3A_353 = arith.constant 0 : i32
        %dma_start3A_354 = tpu.memref_slice %arg6[%dma_start3A_351, %dma_start3A_352, %dma_start3A_353] : memref<4x128x128xf32, #tpu.memory_space<vmem>> -> memref<1x128x128xf32, #tpu.memory_space<vmem>>
        %dma_start3A_355 = tpu.memref_squeeze %dma_start3A_354 : memref<1x128x128xf32, #tpu.memory_space<vmem>> -> memref<128x128xf32, #tpu.memory_space<vmem>>
        %dma_start3A_356 = tpu.memref_slice %arg5[%mul3A_350] : memref<25600xi32, #tpu.memory_space<vmem>> -> memref<128xi32, #tpu.memory_space<vmem>>
        %dma_start3A_357 = arith.constant 0 : i32
        %dma_start3A_358 = arith.constant 0 : i32
        %dma_start3A_359 = tpu.memref_slice %arg3[%dma_start3A_357, %dma_start3A_358] : memref<1007616x128xf32, #tpu.memory_space<hbm>> -> memref<1007616x128xf32, #tpu.memory_space<hbm>>
        tpu.enqueue_indirect_dma source(%dma_start3A_359 : memref<1007616x128xf32, #tpu.memory_space<hbm>>) target(%dma_start3A_355 : memref<128x128xf32, #tpu.memory_space<vmem>>) offsets(%dma_start3A_356 : memref<128xi32, #tpu.memory_space<vmem>>) semaphore(%arg8 : memref<!tpu.dma_semaphore, #tpu.memory_space<semaphore_mem>>)
      } else {
      }
    }
    %scan3A_36 = arith.constant 50 : i32
    %add3A_37 = arith.constant 802816 : i32
    %add3A_38 = arith.addi %add3A_37, %mul3A_2 : i32
    %add3A_39 = arith.constant 256 : i32
    %add3A_40 = arith.addi %add3A_38, %add3A_39 : i32
    %dma_wait3A = arith.constant 2 : i32
    %dma_wait3A_41 = arith.constant 0 : i32
    %dma_wait3A_42 = arith.constant 0 : i32
    %dma_wait3A_43 = tpu.memref_slice %arg6[%dma_wait3A, %dma_wait3A_41, %dma_wait3A_42] : memref<4x128x128xf32, #tpu.memory_space<vmem>> -> memref<1x128x128xf32, #tpu.memory_space<vmem>>
    %dma_wait3A_44 = tpu.memref_squeeze %dma_wait3A_43 : memref<1x128x128xf32, #tpu.memory_space<vmem>> -> memref<128x128xf32, #tpu.memory_space<vmem>>
    %dma_wait3A_45 = arith.constant 0 : i32
    %dma_wait3A_46 = tpu.memref_slice %arg4[%add3A_40, %dma_wait3A_45] : memref<819200x128xf32, #tpu.memory_space<hbm>> -> memref<128x128xf32, #tpu.memory_space<hbm>>
    %dma_wait3A_47 = arith.constant 0 : i32
    %dma_wait3A_48 = tpu.memref_slice %arg4[%add3A_40, %dma_wait3A_47] : memref<819200x128xf32, #tpu.memory_space<hbm>> -> memref<128x128xf32, #tpu.memory_space<hbm>>
    %dma_wait3A_49 = arith.constant 0 : i32
    %dma_wait3A_50 = arith.constant 0 : i32
    %dma_wait3A_51 = tpu.memref_slice %arg6[%dma_wait3A, %dma_wait3A_49, %dma_wait3A_50] : memref<4x128x128xf32, #tpu.memory_space<vmem>> -> memref<1x128x128xf32, #tpu.memory_space<vmem>>
    %dma_wait3A_52 = tpu.memref_squeeze %dma_wait3A_51 : memref<1x128x128xf32, #tpu.memory_space<vmem>> -> memref<128x128xf32, #tpu.memory_space<vmem>>
    tpu.wait_dma2 semaphore(%arg13 : memref<!tpu.dma_semaphore, #tpu.memory_space<semaphore_mem>>) src(%dma_wait3A_52 : memref<128x128xf32, #tpu.memory_space<vmem>>) dst(%dma_wait3A_48 : memref<128x128xf32, #tpu.memory_space<hbm>>)
    %add3A_53 = arith.constant 802816 : i32
    %add3A_54 = arith.addi %add3A_53, %mul3A_2 : i32
    %add3A_55 = arith.constant 384 : i32
    %add3A_56 = arith.addi %add3A_54, %add3A_55 : i32
    %dma_wait3A_57 = arith.constant 3 : i32
    %dma_wait3A_58 = arith.constant 0 : i32
    %dma_wait3A_59 = arith.constant 0 : i32
    %dma_wait3A_60 = tpu.memref_slice %arg6[%dma_wait3A_57, %dma_wait3A_58, %dma_wait3A_59] : memref<4x128x128xf32, #tpu.memory_space<vmem>> -> memref<1x128x128xf32, #tpu.memory_space<vmem>>
    %dma_wait3A_61 = tpu.memref_squeeze %dma_wait3A_60 : memref<1x128x128xf32, #tpu.memory_space<vmem>> -> memref<128x128xf32, #tpu.memory_space<vmem>>
    %dma_wait3A_62 = arith.constant 0 : i32
    %dma_wait3A_63 = tpu.memref_slice %arg4[%add3A_56, %dma_wait3A_62] : memref<819200x128xf32, #tpu.memory_space<hbm>> -> memref<128x128xf32, #tpu.memory_space<hbm>>
    %dma_wait3A_64 = arith.constant 0 : i32
    %dma_wait3A_65 = tpu.memref_slice %arg4[%add3A_56, %dma_wait3A_64] : memref<819200x128xf32, #tpu.memory_space<hbm>> -> memref<128x128xf32, #tpu.memory_space<hbm>>
    %dma_wait3A_66 = arith.constant 0 : i32
    %dma_wait3A_67 = arith.constant 0 : i32
    %dma_wait3A_68 = tpu.memref_slice %arg6[%dma_wait3A_57, %dma_wait3A_66, %dma_wait3A_67] : memref<4x128x128xf32, #tpu.memory_space<vmem>> -> memref<1x128x128xf32, #tpu.memory_space<vmem>>
    %dma_wait3A_69 = tpu.memref_squeeze %dma_wait3A_68 : memref<1x128x128xf32, #tpu.memory_space<vmem>> -> memref<128x128xf32, #tpu.memory_space<vmem>>
    tpu.wait_dma2 semaphore(%arg14 : memref<!tpu.dma_semaphore, #tpu.memory_space<semaphore_mem>>) src(%dma_wait3A_69 : memref<128x128xf32, #tpu.memory_space<vmem>>) dst(%dma_wait3A_65 : memref<128x128xf32, #tpu.memory_space<hbm>>)
    return
  }
}

module attributes {stable_mosaic.version = 14 : i64} {
  func.func @_tin_body(%arg0: i32, %arg1: memref<64x8192xf32, #tpu.memory_space<vmem>>, %arg2: memref<8192x128xf32, #tpu.memory_space<vmem>>) attributes {dimension_semantics = [#tpu.dimension_semantics<arbitrary>], iteration_bounds = array<i64: 123>, scalar_prefetch = 0 : i64, scratch_operands = 0 : i64, tpu.core_type = #tpu.core_type<tc>, window_params = [{transform_indices = @transform_0, window_bounds = array<i64: 64, 8192>}, {transform_indices = @transform_1, window_bounds = array<i64: 8192, 128>}]} {
    %get3A = arith.constant 0 : index
    %get3A_0 = arith.constant 0 : index
    %get3A_1 = vector.load %arg1[%get3A, %get3A_0] : memref<64x8192xf32, #tpu.memory_space<vmem>>, vector<64x8192xf32>
    %transpose3A = tpu.transpose %get3A_1, [1, 0] : vector<64x8192xf32> -> vector<8192x64xf32>
    %broadcast_in_dim3A = arith.constant 0.000000e+00 : f32
    %broadcast_in_dim3A_2 = vector.broadcast %broadcast_in_dim3A : f32 to vector<8192x64xf32>
    %concatenate3A = tpu.concatenate %transpose3A, %broadcast_in_dim3A_2 in 1 : vector<8192x64xf32>, vector<8192x64xf32> -> vector<8192x128xf32>
    %swap3A = arith.constant 0 : index
    %swap3A_3 = arith.constant 0 : index
    %swap3A_4 = vector.load %arg2[%swap3A, %swap3A_3] : memref<8192x128xf32, #tpu.memory_space<vmem>>, vector<8192x128xf32>
    tpu.vector_store %arg2[%swap3A, %swap3A_3], %concatenate3A {strides = array<i32>} : memref<8192x128xf32, #tpu.memory_space<vmem>>, vector<8192x128xf32>,
    return
  }
  func.func @transform_0(%arg0: i32) -> (i32, i32) {
    %c0_i32 = arith.constant 0 : i32
    %c0_i32_0 = arith.constant 0 : i32
    return %c0_i32, %arg0 : i32, i32
  }
  func.func @transform_1(%arg0: i32) -> (i32, i32) {
    %c0_i32 = arith.constant 0 : i32
    %c0_i32_0 = arith.constant 0 : i32
    return %arg0, %c0_i32 : i32, i32
  }
}

module attributes {stable_mosaic.version = 14 : i64} {
  func.func @_tout_body(%arg0: i32, %arg1: i32, %arg2: memref<4096x128xf32, #tpu.memory_space<vmem>>, %arg3: memref<1x64x4096xf32, #tpu.memory_space<vmem>>) attributes {dimension_semantics = [#tpu.dimension_semantics<arbitrary>, #tpu.dimension_semantics<arbitrary>], iteration_bounds = array<i64: 50, 4>, scalar_prefetch = 0 : i64, scratch_operands = 0 : i64, tpu.core_type = #tpu.core_type<tc>, window_params = [{transform_indices = @transform_0, window_bounds = array<i64: 4096, 128>}, {transform_indices = @transform_1, window_bounds = array<i64: 1, 64, 4096>}]} {
    %get3A = arith.constant 0 : index
    %get3A_0 = arith.constant 0 : index
    %get3A_1 = vector.load %arg2[%get3A, %get3A_0] : memref<4096x128xf32, #tpu.memory_space<vmem>>, vector<4096x64xf32>
    %transpose3A = tpu.transpose %get3A_1, [1, 0] : vector<4096x64xf32> -> vector<64x4096xf32>
    %mul3A = arith.constant 8.000000e+00 : f32
    %mul3A_2 = vector.broadcast %mul3A : f32 to vector<64x4096xf32>
    %mul3A_3 = arith.mulf %transpose3A, %mul3A_2 : vector<64x4096xf32>
    %swap3A = arith.constant 0 : index
    %swap3A_4 = arith.constant 0 : index
    %swap3A_5 = arith.constant 0 : index
    %swap3A_6 = vector.load %arg3[%swap3A, %swap3A_4, %swap3A_5] : memref<1x64x4096xf32, #tpu.memory_space<vmem>>, vector<1x64x4096xf32>
    %swap3A_7 = vector.shape_cast %swap3A_6 : vector<1x64x4096xf32> to vector<64x4096xf32>
    %swap3A_8 = vector.shape_cast %mul3A_3 : vector<64x4096xf32> to vector<1x64x4096xf32>
    tpu.vector_store %arg3[%swap3A, %swap3A_4, %swap3A_5], %swap3A_8 {strides = array<i32>} : memref<1x64x4096xf32, #tpu.memory_space<vmem>>, vector<1x64x4096xf32>,
    return
  }
  func.func @transform_0(%arg0: i32, %arg1: i32) -> (i32, i32) {
    %mul3A = arith.constant 4 : i32
    %mul3A_0 = arith.muli %arg0, %mul3A : i32
    %add3A = arith.addi %mul3A_0, %arg1 : i32
    %c0_i32 = arith.constant 0 : i32
    %c0_i32_1 = arith.constant 0 : i32
    return %add3A, %c0_i32 : i32, i32
  }
  func.func @transform_1(%arg0: i32, %arg1: i32) -> (i32, i32, i32) {
    %c0_i32 = arith.constant 0 : i32
    %c0_i32_0 = arith.constant 0 : i32
    return %arg0, %c0_i32, %arg1 : i32, i32, i32
  }
}

</mosaic_0001>

<sc_bundles>
// kernel: kernel.5.cloned.1.call-start
scs
__scs_entry_jumppad:
0x0: {  	(pc) =	sbr.rel $0x88, $3  }
0x1: {  	(tag) =	ssettag $0x0;
	lr =	simm.s32 $0x1  }
0x2: {  	[smem:$0x3F9F] =	sst lr;
	_ =	strace $0xD0000000  }
0x3: {  	_ = 	snop  }
0x4: {  	_ = 	snop  }
0x5: {  	_ = 	snop  }
0x6: {  	_ = 	snop  }
0x7: {  	_ = 	snop  }
__scs_overlays_trampoline_lowered:
0x8: {  	[smem:$0x3FAE] =	sst s0  }
0x9: {  	[smem:$0x3FAF] =	sst s1  }
0xa: {  	[smem:$0x3FB0] =	sst s2  }
0xb: {  	[smem:$0x3FB1] =	sst s3  }
0xc: {  	[smem:$0x3FB2] =	sst s4  }
0xd: {  	[smem:$0x3FB3] =	sst s5  }
0xe: {  	[smem:$0x3FB4] =	sst s6  }
0xf: {  	[smem:$0x3FB5] =	sst s7  }
0x10: {  	[smem:$0x3FB6] =	sst s8  }
0x11: {  	[smem:$0x3FB7] =	sst s9;
	s0 =	simm.s32 @!p0 $0x0  }
0x12: {  	s1 =	sld [smem:$0x3F9D];
	s0 =	simm.s32 @p0 $0x1  }
0x13: {  	[smem:$0x3FB8] =	sst s0;
	s0 =	simm.s32 @!p1 $0x0  }
0x14: {  	s2 =	sld [smem:$0x3F9C];
	s0 =	simm.s32 @p1 $0x1  }
0x15: {  	[smem:$0x3FB9] =	sst s0;
	s0 =	simm.s32 @!p2 $0x0  }
0x16: {  	s3 =	sld [smem:$0x3FDB];
	s0 =	simm.s32 @p2 $0x1  }
0x17: {  	s4 =	simm.s32 $0x1BF5;
	[smem:$0x3FBB] =	sst s0  }
0x18: {  	s0 =	sld [smem:$0x3F9E];
	_ =	swait.ge [sflag:s4], $0x0  }
0x19: {  	s7 =	sld [smem:$0x3F9F]  }
0x1a: {  	s8 =	sadd.s32 $0xFFFFE003, lr  }
0x1b: {  	s9 =	sadd.s32 $0xFFFFFEF7, lr;
	s5 =	simm.s32 $0xFFFFFFFF;
	p2 =	slt.u32 s8, $0xFFFFF086  }
0x1c: {  	p1 =	slt.u32 s9, $0xF7A;
	s5 =	simm.s32 @!p2 $0x0  }
0x1d: {  	s5 =	simm.s32 @p1 $0x1;
	p0 =	seq.s32 s7, s2  }
0x1e: {  	s7 =	smul.u32 @!p0 $0xF7A, s2;
	p2 =	seq.s32 @!p0 s5, $0x0  }
0x1f: {  	s9 =	smul.u32 $0xF7A, s1;
	s8 =	simm.s32 @!p0 $0x1BF5;
	p2 =	por !p2, p0  }
0x20: {  	[sflag:s8] =	ssyncset.s32 @!p0 $0xFFFFF086;
	s6 =	sadd.s32 @!p0 s3, s7;
	s7 =	simm.s32 @!p0 $0x108  }
0x21: {  	s3 =	sadd.s32 s3, s9;
	s6 =	sadd.s32 @!p0 $0x88, s6;
	s7 =	simm.s32 @p2 $0x1082  }
0x22: {  	[simem:s7], [sflag:s8] =	dma.local @!p0 [hbm:s6], $0xF7A  }
0x23: {  	s9 =	sor.u32 $0xD0000000, s2;
	s6 =	simm.s32 $0x108;
	_ =	swait.ge @!p0 [sflag:s8], $0x0  }
0x24: {  	s3 =	sadd.s32 $0x88, s3;
	s6 =	simm.s32 @!p1 $0x1082;
	[sflag:s4] =	ssyncset.s32 $0xFFFFF086  }
0x25: {  	[simem:s6], [sflag:s4] =	dma.local [hbm:s3], $0xF7A  }
0x26: {  	[smem:$0x3F9F] =	sst s1;
	(tag) =	ssettag s2;
	_ =	strace s9  }
0x27: {  	s1 =	sld [smem:$0x3FAF]  }
0x28: {  	s2 =	sld [smem:$0x3FB0]  }
0x29: {  	s4 =	sld [smem:$0x3FB2]  }
0x2a: {  	p0 =	seq.s32 s5, $0x0;
	s5 =	sld [smem:$0x3FB3]  }
0x2b: {  	s6 =	sld [smem:$0x3FB4]  }
0x2c: {  	s7 =	sld [smem:$0x3FB5]  }
0x2d: {  	s3 =	simm.s32 $0x108;
	s8 =	sld [smem:$0x3FB6]  }
0x2e: {  	s3 =	simm.s32 @!p0 $0x1082;
	s9 =	sld [smem:$0x3FB7]  }
0x2f: {  	lr =	sadd.s32 s0, s3;
	s0 =	sld [smem:$0x3FAE]  }
0x30: {  	s3 =	sld [smem:$0x3FB1]  }
0x31: {  	[smem:$0x3FBA] =	sst s10  }
0x32: {  	s10 =	sld [smem:$0x3FB8];
	_ =	sdelay $0x3  }
0x33: {  	p0 =	seq.s32 s10, $0x1;
	s10 =	sld [smem:$0x3FBA];
	_ =	sdelay $0x3  }
0x34: {  	[smem:$0x3FBA] =	sst s10  }
0x35: {  	s10 =	sld [smem:$0x3FB9];
	_ =	sdelay $0x3  }
0x36: {  	p1 =	seq.s32 s10, $0x1;
	s10 =	sld [smem:$0x3FBA];
	_ =	sdelay $0x3  }
0x37: {  	[smem:$0x3FBA] =	sst s10  }
0x38: {  	s10 =	sld [smem:$0x3FBB]  }
0x39: {  	_ = 	snop;
	(pc) =	sbr.ind lr, $3  }
0x3a: {  	_ = 	snop  }
0x3b: {  	_ = 	snop  }
0x3c: {  	p2 =	seq.s32 s10, $0x1;
	s10 =	sld [smem:$0x3FBA]  }
0x3d: {  	_ =	shalt  }
0x3e: {  	_ =	shalt  }
0x3f: {  	_ =	shalt  }
0x40: {  	_ =	shalt  }
0x41: {  	_ =	shalt  }
0x42: {  	_ =	shalt  }
0x43: {  	_ =	shalt  }
0x44: {  	_ =	shalt  }
0x45: {  	_ =	shalt  }
0x46: {  	_ =	shalt  }
0x47: {  	_ =	shalt  }
0x48: {  	_ =	shalt  }
0x49: {  	_ =	shalt  }
0x4a: {  	_ =	shalt  }
0x4b: {  	_ =	shalt  }
0x4c: {  	_ =	shalt  }
0x4d: {  	_ =	shalt  }
0x4e: {  	_ =	shalt  }
0x4f: {  	_ =	shalt  }
0x50: {  	_ =	shalt  }
0x51: {  	_ =	shalt  }
0x52: {  	_ =	shalt  }
0x53: {  	_ =	shalt  }
0x54: {  	_ =	shalt  }
0x55: {  	_ =	shalt  }
0x56: {  	_ =	shalt  }
0x57: {  	_ =	shalt  }
0x58: {  	_ =	shalt  }
0x59: {  	_ =	shalt  }
0x5a: {  	_ =	shalt  }
0x5b: {  	_ =	shalt  }
0x5c: {  	_ =	shalt  }
0x5d: {  	_ =	shalt  }
0x5e: {  	_ =	shalt  }
0x5f: {  	_ =	shalt  }
0x60: {  	_ =	shalt  }
0x61: {  	_ =	shalt  }
0x62: {  	_ =	shalt  }
0x63: {  	_ =	shalt  }
0x64: {  	_ =	shalt  }
0x65: {  	_ =	shalt  }
0x66: {  	_ =	shalt  }
0x67: {  	_ =	shalt  }
0x68: {  	_ =	shalt  }
0x69: {  	_ =	shalt  }
0x6a: {  	_ =	shalt  }
0x6b: {  	_ =	shalt  }
0x6c: {  	_ =	shalt  }
0x6d: {  	_ =	shalt  }
0x6e: {  	_ =	shalt  }
0x6f: {  	_ =	shalt  }
0x70: {  	_ =	shalt  }
0x71: {  	_ =	shalt  }
0x72: {  	_ =	shalt  }
0x73: {  	_ =	shalt  }
0x74: {  	_ =	shalt  }
0x75: {  	_ =	shalt  }
0x76: {  	_ =	shalt  }
0x77: {  	_ =	shalt  }
0x78: {  	_ =	shalt  }
0x79: {  	_ =	shalt  }
0x7a: {  	_ =	shalt  }
0x7b: {  	_ =	shalt  }
0x7c: {  	_ =	shalt  }
0x7d: {  	_ =	shalt  }
0x7e: {  	_ =	shalt  }
0x7f: {  	_ =	shalt  }
0x80: {  	_ =	shalt  }
0x81: {  	_ =	shalt  }
0x82: {  	_ =	shalt  }
0x83: {  	_ =	shalt  }
0x84: {  	_ =	shalt  }
0x85: {  	_ =	shalt  }
0x86: {  	_ =	shalt  }
0x87: {  	_ =	shalt  }
.Lfunc_end0:
.L_simem_size_0:
called_computation_lowered:
.L_overlay_start_0:
0x88: {  	s2 =	sld [smem:$0x3FD9]  }
0x89: {  	s3 =	sld [smem:$0x3FFE];
	_ =	sdelay $0x1  }
0x8a: {  	s1 =	srdreg.scid  }
0x8b: {  	s0 =	sand.u32 $0x1, s1  }
0x8c: {  	s17 =	sshll.u32 s0, $0xA;
	s2 =	sadd.s32 s3, s2  }
0x8d: {  	s2 =	sadd.s32 s2, s17  }
0x8e: {  	[smem:$0x3FC6] =	sst s2  }
0x8f: {  	_ = 	snop  }
0x90: {  	s2 =	sld [smem:$0x3FD0];
	(tm) =	ssettm $0x1  }
0x91: {  	s18 =	sld [smem:$0x3FFB];
	_ =	sdelay $0x3  }
0x92: {  	_ =	strace s18  }
0x93: {  	s3 =	sld [smem:$0x3FFC];
	_ =	sdelay $0x3  }
0x94: {  	_ =	strace s3  }
0x95: {  	s3 =	sld [smem:$0x3FFD];
	_ =	sdelay $0x3  }
0x96: {  	_ =	strace s3  }
0x97: {  	_ =	strace $0x8FFFFFFF  }
0x98: {  	s19 =	sld [smem:$0x3FDB];
	_ =	sdelay $0x1  }
0x99: {  	s4 =	simm.s32 $_scs_section_size  }
0x9a: {  	s5 =	simm.s32 $_size__tile_overlayer_lowered;
	s6 =	simm.s32 $_tile_overlayer_lowered  }
0x9b: {  	s22 =	simm.s32 $0x1BFF;
	s21 =	sshll.u32 s6, $0x1;
	s3 =	sadd.s32 s4, s19  }
0x9c: {  	s7 =	simm.s32 $0x0;
	s20 =	sshll.u32 s5, $0x1;
	s5 =	sadd.s32 s21, s3  }
0x9d: {  	[timem:s7], [sflag:s22] =	dma.local [hbm:s5], s20  }
0x9e: {  	_ =	swait.ge [sflag:s22], s20  }
0x9f: {  	s4 =	ssub.s32 $0x0, s20;
	[sflag:s22] =	ssyncset.done $0x0  }
0xa0: {  	[sflag:s22] =	ssyncadd.s32 s4;
	_ =	sdelay $0x1  }
0xa1: {  	s23 =	simm.s32 $0x1B8B  }
0xa2: {  	_ =	swait.ge [sflag:s23], $0x1  }
0xa3: {  	[sflag:s23] =	ssyncset.done $0x0  }
0xa4: {  	s25 =	simm.s32 $0x1B8E;
	s24 =	sld [smem:$0x3FFE];
	[sflag:s23] =	ssyncadd.s32 $0xFFFFFFFF  }
0xa5: {  	s26 =	simm.s32 $execute0_lowered;
	[smem:$0x3FD2] =	sst s25  }
0xa6: {  	s5 =	sshll.u32 s26, $0x1;
	_ =	strace $0x80000046;
	[dreg:$0x1] =	wrdreg $0xFFFFFFFF  }
0xa7: {  	s28 =	simm.s32 $_size_execute0_lowered;
	s3 =	sadd.s32 s3, s5;
	[dreg:$0x0] =	wrdreg $0x0  }
0xa8: {  	s5 =	sshll.u32 s28, $0x1;
	[dreg:$0x2] =	wrdreg s3  }
0xa9: {  	[dreg:$0x3] =	wrdreg s5  }
0xaa: {  	[dreg:$0x4] =	wrdreg $0xC0  }
0xab: {  	_ =	task [dreg:s7], $0x5FFFF  }
0xac: {  	[dreg:$0x1] =	wrdreg $0xFFFFFFFF  }
0xad: {  	[dreg:$0x0] =	wrdreg $0x60  }
0xae: {  	[dreg:$0x2] =	wrdreg s2  }
0xaf: {  	[dreg:$0x3] =	wrdreg s24  }
0xb0: {  	[dreg:$0x4] =	wrdreg $0x9  }
0xb1: {  	_ =	task.clear_ibuf [dreg:s7], $0x5FFFF;
	_ =	strace $0x90000046  }
0xb2: {  	s29 =	simm.s32 $0x9;
	_ =	strace $0x80000048  }
0xb3: {  	_ =	swait.ge [sflag:s29], $0x1  }
0xb4: {  	[sflag:s29] =	ssyncadd.s32 $0xFFFFFFFF  }
0xb5: {  	_ =	strace $0x90000048  }
0xb6: {  	_ =	sfence  }
0xb7: {  	s30 =	sld [smem:$0x0];
	_ =	sdelay $0x2  }
0xb8: {  	s31 =	sshll.u32 s1, $0xD;
	s1 =	sshrl.u32 s1, $0x2  }
0xb9: {  	s3 =	sand.u32 $0x4000, s31;
	s1 =	sadd.s32 s1, s30  }
0xba: {  	s0 =	sor.u32 s3, s0;
	s1 =	sshll.u32 s1, $0x11  }
0xbb: {  	s0 =	sor.u32 s1, s0  }
0xbc: {  	s0 =	sadd.s32 $0x8F2B, s0  }
0xbd: {  	[sflag:s0] =	ssyncadd.remote.s32 $0x1  }
0xbe: {  	_ =	sfence.sel $0xFFFF  }
0xbf: {  	[dreg:$0x0] =	wrdreg $0xFFFFFFFF;
	(pc) =	sbr.abs _section_cstart, $3  }
0xc0: {  	[dreg:$0x1] =	wrdreg $0xFFFFFFFF  }
0xc1: {  	_ =	task.clear_ibuf [dreg:s7], $0x2FFFF;
	_ =	strace $0x9FFFFFFF  }
0xc2: {  	(tm) =	ssettm $0x7FFFFFFF  }
0xc3: {  	_ =	shalt  }
tec
execute0_lowered:
.L_overlay_start_1:
0x0: {  	(tag) =	ssettag $0x1  }
0x1: {  	s5 =	rddreg [dreg:$0x0]  }
0x2: {  	s4 =	rddreg [dreg:$0x1]  }
0x3: {  	s0 =	rddreg [dreg:$0x2];
	s2 =	simm.s32 $0x0  }
0x4: {  	s1 =	stileid.u32;
	s7 =	srdreg.scid;
	s11 =	simm.s32 $0x1  }
0x5: {  	s12 =	simm.s32 $0xE400;
	s13 =	simm.s32 $0x2;
	s14 =	simm.s32 $0x12400  }
0x6: {  	s15 =	simm.s32 $0x3;
	s16 =	simm.s32 $0x5;
	s17 =	simm.s32 $0x4  }
0x7: {  	s18 =	simm.s32 $0x6;
	s19 =	simm.s32 $0x7;
	s20 =	simm.s32 $0x8  }
0x8: {  	s21 =	simm.s32 $0x0;
	[smem:$0x7FF] =	sst s2;
	s6 =	sshll.u32 s1, $0xE  }
0x9: {  	s3 =	sadd.s32 $0x400, s4;
	s31 =	sand.u32 $0x1, s7;
	s8 =	sshll.u32 s1, $0xA  }
0xa: {  	_ =	strace $0x80000047;
	s4 =	sadd.s32 s6, s4;
	s7 =	ssub.s32 $0x2, s31  }
.Ltmp0:
0xb: {  	s9 =	sshll.u32 s31, $0x9;
	s6 =	sshll.u32 s31, $0xD;
	(pc) =	sbr.rel .LBB2_1-.Ltmp0, $4  }
0xc: {  	s10 =	sshrl.u32 s7, $0x1;
	s8 =	sor.u32 s9, s8;
	s6 =	sadd.s32 s6, s4  }
0xd: {  	s9 =	simm.s32 $0x6400;
	s7 =	ssub.s32 s7, s10;
	s8 =	sshrl.u32 s8, $0x3  }
0xe: {  	s6 =	sadd.s32 $0xF60400, s6;
	s10 =	simm.s32 $0xA400;
	s4 =	smax.u32 s7, $0x1  }
0xf: {  	s5 =	sadd.s32 s8, s5;
	s7 =	simm.s32 $0x9;
	s8 =	simm.s32 $0x80  }
.LBB2_6:
0x10: {  	s21 =	sadd.s32 $0x1, s21  }
0x11: {  	_ =	swait.ge [sflag:s19], $0x4000;
	p0 =	sne.s32 s21, s4  }
.Ltmp1:
0x12: {  	[sflag:s19] =	ssyncset.done $0x0;
	(pc) =	sbr.rel @!p0 .LBB2_7-.Ltmp1, $4  }
0x13: {  	[sflag:s19] =	ssyncadd.s32 $0xFFFFC000  }
0x14: {  	_ =	swait.ge [sflag:s20], $0x4000  }
0x15: {  	[sflag:s20] =	ssyncset.done $0x0  }
0x16: {  	[sflag:s20] =	ssyncadd.s32 $0xFFFFC000  }
.LBB2_1:
0x17: {  	s22 =	simm.s32 $0x0;
	s23 =	sadd.s32 $0x0, s5  }
0x18: {  	[tilespmem:s22], [sflag:$0x9] =	stream.linear.gather [hbm4b:s23+s2], $0x200, $0x38;
	[tilespmem:$0x16400] =	vst v63  }
0x19: {  	_ =	swait.ge [sflag:s7], $0x200  }
0x1a: {  	s22 =	simm.s32 $0x800;
	[sflag:s7] =	ssyncset.done $0x0  }
.LBB2_2:
0x1b: {  	s23 =	sshra.s32 s22, $0x2  }
0x1c: {  	s24 =	sadd.s32 s22, s5;
	[sflag:s7] =	ssyncadd.s32 $0xFFFFFE00;
	p0 =	sne.s32 s22, $0x18800  }
0x1d: {  	[tilespmem:s23], [sflag:$0x9] =	stream.linear.gather [hbm4b:s24+s2], $0x200, $0x38;
	[tilespmem:$0x16400] =	vst v63  }
.Ltmp2:
0x1e: {  	_ = 	snop;
	(pc) =	sbr.rel @p0 .LBB2_2-.Ltmp2, $4  }
0x1f: {  	_ = 	snop  }
0x20: {  	s22 =	sadd.s32 $0x800, s22  }
0x21: {  	_ =	swait.ge [sflag:s7], $0x200  }
0x22: {  	[sflag:s7] =	ssyncset.done $0x0  }
0x23: {  	[sflag:s7] =	ssyncadd.s32 $0xFFFFFE00;
	s22 =	simm.s32 $0x0  }
0x24: {  	[tilespmem:s9], [sflag:$0x1] =	stream.indirect.gather [hbm4b:s3+s8], $0x80, s22, s8, $0xb8;
	[tilespmem:$0x16400] =	vst v63  }
0x25: {  	s23 =	simm.s32 $0x280  }
0x26: {  	[tilespmem:s10], [sflag:$0x2] =	stream.indirect.gather [hbm4b:s3+s8], $0x80, s8, s8, $0xb8;
	[tilespmem:$0x16400] =	vst v63  }
.LBB2_4:
0x27: {  	_ =	swait.ge [sflag:s11], $0x4000  }
0x28: {  	p0 =	seq.s32 s22, $0x0;
	[sflag:s11] =	ssyncset.done $0x0  }
0x29: {  	s24 =	sadd.s32 s22, s6;
	s25 =	simm.s32 @!p0 $0x7;
	[sflag:s11] =	ssyncadd.s32 $0xFFFFC000  }
0x2a: {  	[hbm4b:s24+s2] =	stream.linear.scatter [tilespmem:s9], [sflag:$0x5], $0x4000, $0x38;
	[tilespmem:$0x16400] =	vst v63  }
0x2b: {  	_ =	swait.ge @!p0 [sflag:s25], $0x4000  }
0x2c: {  	[sflag:s25] =	ssyncset.done @!p0 $0x0  }
0x2d: {  	s28 =	sadd.s32 $0xFFFFFE80, s23;
	[sflag:s25] =	ssyncadd.s32 @!p0 $0xFFFFC000  }
0x2e: {  	[tilespmem:s12], [sflag:$0x3] =	stream.indirect.gather [hbm4b:s3+s8], $0x80, s28, s8, $0xb8;
	[tilespmem:$0x16400] =	vst v63  }
0x2f: {  	_ =	swait.ge [sflag:s13], $0x4000  }
0x30: {  	[sflag:s13] =	ssyncset.done $0x0  }
0x31: {  	s29 =	sadd.s32 $0x800, s24;
	s25 =	simm.s32 @!p0 $0x8;
	[sflag:s13] =	ssyncadd.s32 $0xFFFFC000  }
0x32: {  	[hbm4b:s29+s2] =	stream.linear.scatter [tilespmem:s10], [sflag:$0x6], $0x4000, $0x38;
	[tilespmem:$0x16400] =	vst v63  }
0x33: {  	_ =	swait.ge @!p0 [sflag:s25], $0x4000  }
0x34: {  	[sflag:s25] =	ssyncset.done @!p0 $0x0  }
0x35: {  	s30 =	sadd.s32 $0xFFFFFF00, s23;
	[sflag:s25] =	ssyncadd.s32 @!p0 $0xFFFFC000  }
0x36: {  	[tilespmem:s14], [sflag:$0x4] =	stream.indirect.gather [hbm4b:s3+s8], $0x80, s30, s8, $0xb8;
	[tilespmem:$0x16400] =	vst v63  }
0x37: {  	_ =	swait.ge [sflag:s15], $0x4000  }
0x38: {  	[sflag:s15] =	ssyncset.done $0x0  }
0x39: {  	s31 =	sadd.s32 $0x1000, s24;
	[sflag:s15] =	ssyncadd.s32 $0xFFFFC000  }
0x3a: {  	[hbm4b:s31+s2] =	stream.linear.scatter [tilespmem:s12], [sflag:$0x7], $0x4000, $0x38;
	[tilespmem:$0x16400] =	vst v63  }
0x3b: {  	p0 =	seq.s32 s22, $0xC40000;
	_ =	swait.ge [sflag:s16], $0x4000  }
0x3c: {  	s25 =	sadd.s32 @!p0 $0xFFFFFF80, s23;
	[sflag:s16] =	ssyncset.done $0x0  }
0x3d: {  	s26 =	simm.s32 @!p0 $0x80;
	s28 =	simm.s32 @!p0 $0x6400;
	[sflag:s16] =	ssyncadd.s32 $0xFFFFC000  }
0x3e: {  	[tilespmem:s28], [sflag:$0x1] =	stream.indirect.gather @!p0 [hbm4b:s3+s26], $0x80, s25, s26, $0xb8;
	[tilespmem:$0x16400] =	vst v63  }
0x3f: {  	_ =	swait.ge [sflag:s17], $0x4000  }
0x40: {  	[sflag:s17] =	ssyncset.done $0x0  }
.Ltmp3:
0x41: {  	s24 =	sadd.s32 $0x1800, s24;
	[sflag:s17] =	ssyncadd.s32 $0xFFFFC000;
	(pc) =	sbr.rel @p0 .LBB2_6-.Ltmp3, $4  }
0x42: {  	[hbm4b:s24+s2] =	stream.linear.scatter [tilespmem:s14], [sflag:$0x8], $0x4000, $0x38;
	[tilespmem:$0x16400] =	vst v63  }
0x43: {  	_ =	swait.ge [sflag:s18], $0x4000  }
0x44: {  	[sflag:s18] =	ssyncset.done $0x0  }
0x45: {  	[sflag:s18] =	ssyncadd.s32 $0xFFFFC000  }
.Ltmp4:
0x46: {  	(pc) =	sbr.rel .LBB2_4-.Ltmp4, $3  }
0x47: {  	_ =	sdelay $0x1  }
0x48: {  	[tilespmem:s10], [sflag:$0x2] =	stream.indirect.gather [hbm4b:s3+s8], $0x80, s23, s8, $0xb8;
	[tilespmem:$0x16400] =	vst v63  }
0x49: {  	s22 =	sadd.s32 $0x40000, s22;
	s23 =	sadd.s32 $0x200, s23  }
.LBB2_7:
0x4a: {  	_ =	sfence.sel $0x180000  }
0x4b: {  	[bflag:$0x0] =	sbarrier.arrive $0xFFFF  }
0x4c: {  	p0 =	sne.s32 s1, $0x0;
	_ =	strace $0x90000047  }
0x4d: {  	s0 =	sadd.s32 @!p0 $0x100000, s0;
	[bflag:$0x2] =	sbarrier.arrive $0xFFFF  }
0x4e: {  	[sflag:s0] =	ssyncadd.tile.s32 @!p0 $0x1;
	_ =	shalt  }
.Lfunc_end2:
_tile_overlayer_lowered:
.L_overlay_start_2:
0x4f: {  	(tag) =	ssettag $0x2  }
0x50: {  	s0 =	rddreg [dreg:$0x0];
	s2 =	stileid.u32  }
0x51: {  	s1 =	rddreg [dreg:$0x1];
	p0 =	sne.s32 s2, $0x0  }
0x52: {  	s3 =	rddreg [dreg:$0x2];
	[bflag:$0x3] =	sbarrier.arrive $0xFFFF;
	s2 =	simm.s32 @!p0 $0x1C09  }
0x53: {  	[timem:s3], [sflag:s2] =	dma.local @!p0 [hbm:s0], s1  }
0x54: {  	s0 =	simm.s32 @!p0 $0x9  }
0x55: {  	_ =	swait.ge @!p0 [sflag:s0], s1  }
0x56: {  	s1 =	ssub.s32 @!p0 $0x0, s1;
	[sflag:s0] =	ssyncset.done @!p0 $0x0  }
0x57: {  	[sflag:s0] =	ssyncadd.s32 @!p0 s1  }
0x58: {  	[bflag:$0x3] =	sbarrier.arrive $0xFFFF  }
0x59: {  	_ =	shalt  }

</sc_bundles>
